<compile_context>
chip_gen: v7x
topology: tpu7x:2x2x1
jax: 0.10.2.dev20260603
libtpu: 0.0.44.dev20260713+nightly
codegen_flags: <defaults>
</compile_context>

<pallas_src>
import functools

import jax
import jax.numpy as jnp
from jax import lax
from jax.experimental import pallas as pl
from jax.experimental.pallas import tpu as pltpu
from jax.experimental.pallas import tpu_sc as plsc


def _sc_gather(B, H, K, dtype, chunk=128, wave=8):
    info = plsc.get_sparse_core_info()
    NC, NS = info.num_cores, info.num_subcores
    NW = NC * NS
    bw = B // NW
    hw = bw * H

    mesh = plsc.VectorSubcoreMesh(core_axis_name="c", subcore_axis_name="s")

    @functools.partial(
        pl.kernel,
        mesh=mesh,
        out_type=[
            jax.ShapeDtypeStruct((B * H, K), dtype),
            jax.ShapeDtypeStruct((B, K), dtype),
            jax.ShapeDtypeStruct((B, K), dtype),
        ],
        scratch_types=[
            pltpu.VMEM((bw,), jnp.int32),
            pltpu.VMEM((bw,), jnp.int32),
            pltpu.VMEM((hw,), jnp.int32),
            pltpu.VMEM((hw,), jnp.int32),
            pltpu.VMEM((bw, K), dtype),
            pltpu.VMEM((bw, K), dtype),
            pltpu.VMEM((hw, K), dtype),
            pltpu.SemaphoreType.DMA,
        ],
        compiler_params=pltpu.CompilerParams(use_tc_tiling_on_sc=False),
    )
    def kern(users_r, items_r, hpos_r, ui_r, gu_tab, gi_tab,
             gih_out, gu_out, gi_out,
             idx_u, idx_i, pos_v, hist_v, gu_v, gi_v, rows_v, sem):
        wid = lax.axis_index("s") * NC + lax.axis_index("c")
        base = wid * bw
        hb = wid * hw
        pltpu.sync_copy(users_r.at[pl.ds(base, bw)], idx_u)
        pltpu.sync_copy(items_r.at[pl.ds(base, bw)], idx_i)
        pltpu.sync_copy(hpos_r.at[pl.ds(hb, hw)], pos_v)
        cps = [pltpu.async_copy(gu_tab.at[idx_u], gu_v, sem),
               pltpu.async_copy(gi_tab.at[idx_i], gi_v, sem)]
        for g in range(hw // chunk):
            cps.append(pltpu.async_copy(
                ui_r.at[pos_v.at[pl.ds(g * chunk, chunk)]],
                hist_v.at[pl.ds(g * chunk, chunk)], sem))
            if len(cps) >= wave:
                for cp in cps:
                    cp.wait()
                cps = []
        for cp in cps:
            cp.wait()
        cps = []
        for g in range(hw // chunk):
            cps.append(pltpu.async_copy(
                gi_tab.at[hist_v.at[pl.ds(g * chunk, chunk)]],
                rows_v.at[pl.ds(g * chunk, chunk)], sem))
            if len(cps) >= wave:
                for cp in cps:
                    cp.wait()
                cps = []
        for cp in cps:
            cp.wait()
        pltpu.sync_copy(rows_v, gih_out.at[pl.ds(hb, hw)])
        pltpu.sync_copy(gu_v, gu_out.at[pl.ds(base, bw)])
        pltpu.sync_copy(gi_v, gi_out.at[pl.ds(base, bw)])

    return kern


def _tc_mlp(B, H, K):
    def body(gih2_r, gu_r, gi_r, wbd_r, wg_r, tb1_r, rw2_r,
             w1at_r, w1bt_r, w2t_r, b1_r, b2_r, gu_star_r, xui_r):
        dot = functools.partial(
            lax.dot_general,
            dimension_numbers=(((1,), (0,)), ((), ())),
            preferred_element_type=jnp.float32)
        gu = gu_r[...]
        h2 = dot(gih2_r[...], wbd_r[...]) + dot(gu, wg_r[...]) + tb1_r[...]
        h2 = jnp.where(h2 >= 0, h2, 0.01 * h2)
        gu_star = dot(h2, rw2_r[...]) + b2_r[...]
        hp = dot(gu, w1at_r[...]) + dot(gi_r[...], w1bt_r[...]) + b1_r[...]
        hp = jnp.where(hp >= 0, hp, 0.01 * hp)
        gui = dot(hp, w2t_r[...]) + b2_r[...]
        gu_star_r[...] = gu_star
        xui_r[...] = jnp.sum(gu_star * gui, axis=1, keepdims=True)

    return pl.pallas_call(
        body,
        out_shape=[
            jax.ShapeDtypeStruct((B, K), jnp.float32),
            jax.ShapeDtypeStruct((B, 1), jnp.float32),
        ],
    )


def kernel(users, items, Gu, Gi, W1, b1, W2, b2, ui):
    B = users.shape[0]
    NU, K = Gu.shape
    H = ui.shape[1] // NU

    ui_flat = ui.reshape(2 * NU * H)
    hpos = (((users.astype(jnp.int32) + NU) * H)[:, None]
            + jnp.arange(H, dtype=jnp.int32)[None, :]).reshape(B * H)
    gih, gu, gamma_i = _sc_gather(B, H, K, Gu.dtype)(
        users, items, hpos, ui_flat, Gu, Gi)
    gih2 = gih.reshape(B, H * K)

    w1at = W1[:, :K].T
    w1bt = W1[:, K:].T
    w2t = W2.T
    eye = jnp.eye(H, dtype=W1.dtype)
    wbd = jnp.kron(eye, w1bt)
    wg = jnp.tile(w1at, (1, H))
    tb1 = jnp.tile(b1, H)[None, :]
    rw2 = jnp.tile(w2t / H, (H, 1))
    gu_star, xui = _tc_mlp(B, H, K)(
        gih2, gu, gamma_i, wbd, wg, tb1, rw2,
        w1at, w1bt, w2t, b1[None, :], b2[None, :])
    return (xui.reshape(B), gu_star, gamma_i)

# --- scband reference (transcript-rebuilt; emitter-appended) ---
"""Pipeline reference for scband-rslogic2-model-16595753632538 (READ-ONLY COPY).

The authoritative reference and input builder live on the scoring server;
editing this copy changes nothing except your own understanding.
"""

import jax, jax.numpy as jnp
import numpy as np

NUM_USERS = 100000
NUM_ITEMS = 1000000
EMBED_K = 16
HIST_LEN = 20
BATCH = 4096


def setup_inputs(seed: int = 0) -> dict:
    key = jax.random.key(seed)
    ks = jax.random.split(key, 9)
    users = jax.random.randint(ks[0], (BATCH,), 0, NUM_USERS, dtype=jnp.int32)
    items = jax.random.randint(ks[1], (BATCH,), 0, NUM_ITEMS, dtype=jnp.int32)
    lim_u = float(np.sqrt(6.0 / (NUM_USERS + EMBED_K)))
    lim_i = float(np.sqrt(6.0 / (NUM_ITEMS + EMBED_K)))
    Gu = jax.random.uniform(ks[2], (NUM_USERS, EMBED_K), minval=-lim_u, maxval=lim_u, dtype=jnp.float32)
    Gi = jax.random.uniform(ks[3], (NUM_ITEMS, EMBED_K), minval=-lim_i, maxval=lim_i, dtype=jnp.float32)
    lim1 = float(np.sqrt(1.0 / (2 * EMBED_K)))
    W1 = jax.random.uniform(ks[4], (EMBED_K, 2 * EMBED_K), minval=-lim1, maxval=lim1, dtype=jnp.float32)
    b1 = jax.random.uniform(ks[5], (EMBED_K,), minval=-lim1, maxval=lim1, dtype=jnp.float32)
    lim2 = float(np.sqrt(1.0 / EMBED_K))
    W2 = jax.random.uniform(ks[6], (EMBED_K, EMBED_K), minval=-lim2, maxval=lim2, dtype=jnp.float32)
    b2 = jax.random.uniform(ks[7], (EMBED_K,), minval=-lim2, maxval=lim2, dtype=jnp.float32)
    # interaction log ui: [2, NUM_USERS*HIST_LEN]; row 0 = user ids (each user has HIST_LEN interactions), row 1 = item ids
    ui_row0 = jnp.repeat(jnp.arange(NUM_USERS, dtype=jnp.int32), HIST_LEN)
    ui_row1 = jax.random.randint(ks[8], (NUM_USERS * HIST_LEN,), 0, NUM_ITEMS, dtype=jnp.int32)
    ui = jnp.stack([ui_row0, ui_row1], axis=0)
    return {"users": users, "items": items, "Gu": Gu, "Gi": Gi, "W1": W1, "b1": b1, "W2": W2, "b2": b2, "ui": ui}


def _mlp(x, W1, b1, W2, b2):
    # torch: int_layer2(leaky_relu(int_layer1(cat(u, i))))
    h = jax.nn.leaky_relu(x @ W1.T + b1, 0.01)
    return h @ W2.T + b2


def reference(users, items, Gu, Gi, W1, b1, W2, b2, ui):
    # extract_int_from_user_history: for each user in the batch, gather its history
    # items from ui (each user owns a contiguous block of HIST_LEN columns by
    # construction: ui[:, ui[0,:]==u] == columns [u*HIST_LEN, (u+1)*HIST_LEN)),
    # run interaction_repr_history over (user_embed, item_embeds), mean over history.
    hist_items = ui[1].reshape(NUM_USERS, HIST_LEN)[users]            # [B, H]
    gu = Gu[users]                                                     # [B, K]
    gi_hist = Gi[hist_items]                                           # [B, H, K]
    gu_exp = jnp.broadcast_to(gu[:, None, :], gi_hist.shape)           # [B, H, K]
    hv = jnp.concatenate([gu_exp, gi_hist], axis=-1).reshape(-1, 2 * EMBED_K)
    reprs = _mlp(hv, W1, b1, W2, b2).reshape(users.shape[0], HIST_LEN, EMBED_K)
    gu_star = jnp.mean(reprs, axis=1)                                  # [B, K]
    # main forward
    gamma_u = Gu[users]
    gamma_i = Gi[items]
    gui = _mlp(jnp.concatenate([gamma_u, gamma_i], axis=1), W1, b1, W2, b2)
    xui = jnp.sum(gu_star * gui, axis=1)
    return (xui, gu_star, gamma_i)

if __name__ == "__main__":
    import jax
    _d = setup_inputs()
    print(jax.jit(kernel)(*tuple(_d.values())))

</pallas_src>

<mosaic_0001>
#map = affine_map<(d0, d1) -> (0)>
#map1 = affine_map<(d0, d1) -> (0, 0)>
module attributes {stable_mosaic.version = 14 : i64} {
  func.func @kern(%arg0: i32, %arg1: i32, %arg2: memref<4096xi32, #tpu.memory_space<hbm>>, %arg3: memref<4096xi32, #tpu.memory_space<hbm>>, %arg4: memref<81920xi32, #tpu.memory_space<hbm>>, %arg5: memref<4000000xi32, #tpu.memory_space<hbm>>, %arg6: memref<100000x16xf32, #tpu.memory_space<hbm>>, %arg7: memref<1000000x16xf32, #tpu.memory_space<hbm>>, %arg8: memref<81920x16xf32, #tpu.memory_space<hbm>>, %arg9: memref<4096x16xf32, #tpu.memory_space<hbm>>, %arg10: memref<4096x16xf32, #tpu.memory_space<hbm>>, %arg11: memref<128xi32, #tpu.memory_space<vmem>>, %arg12: memref<128xi32, #tpu.memory_space<vmem>>, %arg13: memref<2560xi32, #tpu.memory_space<vmem>>, %arg14: memref<2560xi32, #tpu.memory_space<vmem>>, %arg15: memref<128x16xf32, #tpu.memory_space<vmem>>, %arg16: memref<128x16xf32, #tpu.memory_space<vmem>>, %arg17: memref<2560x16xf32, #tpu.memory_space<vmem>>, %arg18: memref<!tpu.dma_semaphore, #tpu.memory_space<semaphore_mem>>) attributes {dimension_semantics = [#tpu.dimension_semantics<core_parallel>, #tpu.dimension_semantics<subcore_parallel>], iteration_bounds = array<i64: 2, 16>, scalar_prefetch = 0 : i64, scratch_operands = 8 : i64, tpu.core_type = #tpu.core_type<sc_vector_subcore>, window_params = [{transform_indices = #map}, {transform_indices = #map}, {transform_indices = #map}, {transform_indices = #map}, {transform_indices = #map1}, {transform_indices = #map1}, {transform_indices = #map1}, {transform_indices = #map1}, {transform_indices = #map1}]} {
    %mul3A = arith.constant 2 : i32
    %mul3A_0 = arith.muli %arg1, %mul3A : i32
    %add3A = arith.addi %mul3A_0, %arg0 : i32
    %mul3A_1 = arith.constant 128 : i32
    %mul3A_2 = arith.muli %add3A, %mul3A_1 : i32
    %mul3A_3 = arith.constant 2560 : i32
    %mul3A_4 = arith.muli %add3A, %mul3A_3 : i32
    "tpu.region"() ({
      %run_scoped3A = tpu.sem_alloc : memref<!tpu.dma_semaphore, #tpu.memory_space<semaphore_mem>>
      %dma_start3A_575 = tpu.memref_slice %arg2[%mul3A_2] : memref<4096xi32, #tpu.memory_space<hbm>> -> memref<128xi32, #tpu.memory_space<hbm>>
      %dma_start3A_576 = tpu.memref_slice %arg2[%mul3A_2] : memref<4096xi32, #tpu.memory_space<hbm>> -> memref<128xi32, #tpu.memory_space<hbm>>
      tpu.enqueue_dma source(%dma_start3A_576 : memref<128xi32, #tpu.memory_space<hbm>>) target(%arg11 : memref<128xi32, #tpu.memory_space<vmem>>) target_semaphore(%run_scoped3A : memref<!tpu.dma_semaphore, #tpu.memory_space<semaphore_mem>>)
      %dma_wait3A_577 = tpu.memref_slice %arg2[%mul3A_2] : memref<4096xi32, #tpu.memory_space<hbm>> -> memref<128xi32, #tpu.memory_space<hbm>>
      %dma_wait3A_578 = tpu.memref_slice %arg2[%mul3A_2] : memref<4096xi32, #tpu.memory_space<hbm>> -> memref<128xi32, #tpu.memory_space<hbm>>
      tpu.wait_dma2 semaphore(%run_scoped3A : memref<!tpu.dma_semaphore, #tpu.memory_space<semaphore_mem>>) src(%dma_wait3A_578 : memref<128xi32, #tpu.memory_space<hbm>>) dst(%arg11 : memref<128xi32, #tpu.memory_space<vmem>>)
      tpu.yield
    }) : () -> ()
    "tpu.region"() ({
      %run_scoped3A = tpu.sem_alloc : memref<!tpu.dma_semaphore, #tpu.memory_space<semaphore_mem>>
      %dma_start3A_575 = tpu.memref_slice %arg3[%mul3A_2] : memref<4096xi32, #tpu.memory_space<hbm>> -> memref<128xi32, #tpu.memory_space<hbm>>
      %dma_start3A_576 = tpu.memref_slice %arg3[%mul3A_2] : memref<4096xi32, #tpu.memory_space<hbm>> -> memref<128xi32, #tpu.memory_space<hbm>>
      tpu.enqueue_dma source(%dma_start3A_576 : memref<128xi32, #tpu.memory_space<hbm>>) target(%arg12 : memref<128xi32, #tpu.memory_space<vmem>>) target_semaphore(%run_scoped3A : memref<!tpu.dma_semaphore, #tpu.memory_space<semaphore_mem>>)
      %dma_wait3A_577 = tpu.memref_slice %arg3[%mul3A_2] : memref<4096xi32, #tpu.memory_space<hbm>> -> memref<128xi32, #tpu.memory_space<hbm>>
      %dma_wait3A_578 = tpu.memref_slice %arg3[%mul3A_2] : memref<4096xi32, #tpu.memory_space<hbm>> -> memref<128xi32, #tpu.memory_space<hbm>>
      tpu.wait_dma2 semaphore(%run_scoped3A : memref<!tpu.dma_semaphore, #tpu.memory_space<semaphore_mem>>) src(%dma_wait3A_578 : memref<128xi32, #tpu.memory_space<hbm>>) dst(%arg12 : memref<128xi32, #tpu.memory_space<vmem>>)
      tpu.yield
    }) : () -> ()
    "tpu.region"() ({
      %run_scoped3A = tpu.sem_alloc : memref<!tpu.dma_semaphore, #tpu.memory_space<semaphore_mem>>
      %dma_start3A_575 = tpu.memref_slice %arg4[%mul3A_4] : memref<81920xi32, #tpu.memory_space<hbm>> -> memref<2560xi32, #tpu.memory_space<hbm>>
      %dma_start3A_576 = tpu.memref_slice %arg4[%mul3A_4] : memref<81920xi32, #tpu.memory_space<hbm>> -> memref<2560xi32, #tpu.memory_space<hbm>>
      tpu.enqueue_dma source(%dma_start3A_576 : memref<2560xi32, #tpu.memory_space<hbm>>) target(%arg13 : memref<2560xi32, #tpu.memory_space<vmem>>) target_semaphore(%run_scoped3A : memref<!tpu.dma_semaphore, #tpu.memory_space<semaphore_mem>>)
      %dma_wait3A_577 = tpu.memref_slice %arg4[%mul3A_4] : memref<81920xi32, #tpu.memory_space<hbm>> -> memref<2560xi32, #tpu.memory_space<hbm>>
      %dma_wait3A_578 = tpu.memref_slice %arg4[%mul3A_4] : memref<81920xi32, #tpu.memory_space<hbm>> -> memref<2560xi32, #tpu.memory_space<hbm>>
      tpu.wait_dma2 semaphore(%run_scoped3A : memref<!tpu.dma_semaphore, #tpu.memory_space<semaphore_mem>>) src(%dma_wait3A_578 : memref<2560xi32, #tpu.memory_space<hbm>>) dst(%arg13 : memref<2560xi32, #tpu.memory_space<vmem>>)
      tpu.yield
    }) : () -> ()
    %dma_start3A = arith.constant 0 : i32
    %dma_start3A_5 = arith.constant 0 : i32
    %dma_start3A_6 = tpu.memref_slice %arg6[%dma_start3A, %dma_start3A_5] : memref<100000x16xf32, #tpu.memory_space<hbm>> -> memref<100000x16xf32, #tpu.memory_space<hbm>>
    tpu.enqueue_indirect_dma source(%dma_start3A_6 : memref<100000x16xf32, #tpu.memory_space<hbm>>) target(%arg15 : memref<128x16xf32, #tpu.memory_space<vmem>>) offsets(%arg11 : memref<128xi32, #tpu.memory_space<vmem>>) semaphore(%arg18 : memref<!tpu.dma_semaphore, #tpu.memory_space<semaphore_mem>>)
    %dma_start3A_7 = arith.constant 0 : i32
    %dma_start3A_8 = arith.constant 0 : i32
    %dma_start3A_9 = tpu.memref_slice %arg7[%dma_start3A_7, %dma_start3A_8] : memref<1000000x16xf32, #tpu.memory_space<hbm>> -> memref<1000000x16xf32, #tpu.memory_space<hbm>>
    tpu.enqueue_indirect_dma source(%dma_start3A_9 : memref<1000000x16xf32, #tpu.memory_space<hbm>>) target(%arg16 : memref<128x16xf32, #tpu.memory_space<vmem>>) offsets(%arg12 : memref<128xi32, #tpu.memory_space<vmem>>) semaphore(%arg18 : memref<!tpu.dma_semaphore, #tpu.memory_space<semaphore_mem>>)
    %dma_start3A_10 = arith.constant 0 : i32
    %dma_start3A_11 = tpu.memref_slice %arg14[%dma_start3A_10] : memref<2560xi32, #tpu.memory_space<vmem>> -> memref<128xi32, #tpu.memory_space<vmem>>
    %dma_start3A_12 = arith.constant 0 : i32
    %dma_start3A_13 = tpu.memref_slice %arg13[%dma_start3A_12] : memref<2560xi32, #tpu.memory_space<vmem>> -> memref<128xi32, #tpu.memory_space<vmem>>
    %dma_start3A_14 = arith.constant 0 : i32
    %dma_start3A_15 = tpu.memref_slice %arg5[%dma_start3A_14] : memref<4000000xi32, #tpu.memory_space<hbm>> -> memref<4000000xi32, #tpu.memory_space<hbm>>
    tpu.enqueue_indirect_dma source(%dma_start3A_15 : memref<4000000xi32, #tpu.memory_space<hbm>>) target(%dma_start3A_11 : memref<128xi32, #tpu.memory_space<vmem>>) offsets(%dma_start3A_13 : memref<128xi32, #tpu.memory_space<vmem>>) semaphore(%arg18 : memref<!tpu.dma_semaphore, #tpu.memory_space<semaphore_mem>>)
    %dma_start3A_16 = arith.constant 128 : i32
    %dma_start3A_17 = tpu.memref_slice %arg14[%dma_start3A_16] : memref<2560xi32, #tpu.memory_space<vmem>> -> memref<128xi32, #tpu.memory_space<vmem>>
    %dma_start3A_18 = arith.constant 128 : i32
    %dma_start3A_19 = tpu.memref_slice %arg13[%dma_start3A_18] : memref<2560xi32, #tpu.memory_space<vmem>> -> memref<128xi32, #tpu.memory_space<vmem>>
    %dma_start3A_20 = arith.constant 0 : i32
    %dma_start3A_21 = tpu.memref_slice %arg5[%dma_start3A_20] : memref<4000000xi32, #tpu.memory_space<hbm>> -> memref<4000000xi32, #tpu.memory_space<hbm>>
    tpu.enqueue_indirect_dma source(%dma_start3A_21 : memref<4000000xi32, #tpu.memory_space<hbm>>) target(%dma_start3A_17 : memref<128xi32, #tpu.memory_space<vmem>>) offsets(%dma_start3A_19 : memref<128xi32, #tpu.memory_space<vmem>>) semaphore(%arg18 : memref<!tpu.dma_semaphore, #tpu.memory_space<semaphore_mem>>)
    %dma_start3A_22 = arith.constant 256 : i32
    %dma_start3A_23 = tpu.memref_slice %arg14[%dma_start3A_22] : memref<2560xi32, #tpu.memory_space<vmem>> -> memref<128xi32, #tpu.memory_space<vmem>>
    %dma_start3A_24 = arith.constant 256 : i32
    %dma_start3A_25 = tpu.memref_slice %arg13[%dma_start3A_24] : memref<2560xi32, #tpu.memory_space<vmem>> -> memref<128xi32, #tpu.memory_space<vmem>>
    %dma_start3A_26 = arith.constant 0 : i32
    %dma_start3A_27 = tpu.memref_slice %arg5[%dma_start3A_26] : memref<4000000xi32, #tpu.memory_space<hbm>> -> memref<4000000xi32, #tpu.memory_space<hbm>>
    tpu.enqueue_indirect_dma source(%dma_start3A_27 : memref<4000000xi32, #tpu.memory_space<hbm>>) target(%dma_start3A_23 : memref<128xi32, #tpu.memory_space<vmem>>) offsets(%dma_start3A_25 : memref<128xi32, #tpu.memory_space<vmem>>) semaphore(%arg18 : memref<!tpu.dma_semaphore, #tpu.memory_space<semaphore_mem>>)
    %dma_start3A_28 = arith.constant 384 : i32
    %dma_start3A_29 = tpu.memref_slice %arg14[%dma_start3A_28] : memref<2560xi32, #tpu.memory_space<vmem>> -> memref<128xi32, #tpu.memory_space<vmem>>
    %dma_start3A_30 = arith.constant 384 : i32
    %dma_start3A_31 = tpu.memref_slice %arg13[%dma_start3A_30] : memref<2560xi32, #tpu.memory_space<vmem>> -> memref<128xi32, #tpu.memory_space<vmem>>
    %dma_start3A_32 = arith.constant 0 : i32
    %dma_start3A_33 = tpu.memref_slice %arg5[%dma_start3A_32] : memref<4000000xi32, #tpu.memory_space<hbm>> -> memref<4000000xi32, #tpu.memory_space<hbm>>
    tpu.enqueue_indirect_dma source(%dma_start3A_33 : memref<4000000xi32, #tpu.memory_space<hbm>>) target(%dma_start3A_29 : memref<128xi32, #tpu.memory_space<vmem>>) offsets(%dma_start3A_31 : memref<128xi32, #tpu.memory_space<vmem>>) semaphore(%arg18 : memref<!tpu.dma_semaphore, #tpu.memory_space<semaphore_mem>>)
    %dma_start3A_34 = arith.constant 512 : i32
    %dma_start3A_35 = tpu.memref_slice %arg14[%dma_start3A_34] : memref<2560xi32, #tpu.memory_space<vmem>> -> memref<128xi32, #tpu.memory_space<vmem>>
    %dma_start3A_36 = arith.constant 512 : i32
    %dma_start3A_37 = tpu.memref_slice %arg13[%dma_start3A_36] : memref<2560xi32, #tpu.memory_space<vmem>> -> memref<128xi32, #tpu.memory_space<vmem>>
    %dma_start3A_38 = arith.constant 0 : i32
    %dma_start3A_39 = tpu.memref_slice %arg5[%dma_start3A_38] : memref<4000000xi32, #tpu.memory_space<hbm>> -> memref<4000000xi32, #tpu.memory_space<hbm>>
    tpu.enqueue_indirect_dma source(%dma_start3A_39 : memref<4000000xi32, #tpu.memory_space<hbm>>) target(%dma_start3A_35 : memref<128xi32, #tpu.memory_space<vmem>>) offsets(%dma_start3A_37 : memref<128xi32, #tpu.memory_space<vmem>>) semaphore(%arg18 : memref<!tpu.dma_semaphore, #tpu.memory_space<semaphore_mem>>)
    %dma_start3A_40 = arith.constant 640 : i32
    %dma_start3A_41 = tpu.memref_slice %arg14[%dma_start3A_40] : memref<2560xi32, #tpu.memory_space<vmem>> -> memref<128xi32, #tpu.memory_space<vmem>>
    %dma_start3A_42 = arith.constant 640 : i32
    %dma_start3A_43 = tpu.memref_slice %arg13[%dma_start3A_42] : memref<2560xi32, #tpu.memory_space<vmem>> -> memref<128xi32, #tpu.memory_space<vmem>>
    %dma_start3A_44 = arith.constant 0 : i32
    %dma_start3A_45 = tpu.memref_slice %arg5[%dma_start3A_44] : memref<4000000xi32, #tpu.memory_space<hbm>> -> memref<4000000xi32, #tpu.memory_space<hbm>>
    tpu.enqueue_indirect_dma source(%dma_start3A_45 : memref<4000000xi32, #tpu.memory_space<hbm>>) target(%dma_start3A_41 : memref<128xi32, #tpu.memory_space<vmem>>) offsets(%dma_start3A_43 : memref<128xi32, #tpu.memory_space<vmem>>) semaphore(%arg18 : memref<!tpu.dma_semaphore, #tpu.memory_space<semaphore_mem>>)
    %dma_wait3A = arith.constant 0 : i32
    %dma_wait3A_46 = arith.constant 0 : i32
    %dma_wait3A_47 = tpu.memref_slice %arg6[%dma_wait3A, %dma_wait3A_46] : memref<100000x16xf32, #tpu.memory_space<hbm>> -> memref<100000x16xf32, #tpu.memory_space<hbm>>
    tpu.wait_indirect_dma semaphore(%arg18 : memref<!tpu.dma_semaphore, #tpu.memory_space<semaphore_mem>>) src(%dma_wait3A_47 : memref<100000x16xf32, #tpu.memory_space<hbm>>) dst(%arg15 : memref<128x16xf32, #tpu.memory_space<vmem>>)
    %dma_wait3A_48 = arith.constant 0 : i32
    %dma_wait3A_49 = arith.constant 0 : i32
    %dma_wait3A_50 = tpu.memref_slice %arg7[%dma_wait3A_48, %dma_wait3A_49] : memref<1000000x16xf32, #tpu.memory_space<hbm>> -> memref<1000000x16xf32, #tpu.memory_space<hbm>>
    tpu.wait_indirect_dma semaphore(%arg18 : memref<!tpu.dma_semaphore, #tpu.memory_space<semaphore_mem>>) src(%dma_wait3A_50 : memref<1000000x16xf32, #tpu.memory_space<hbm>>) dst(%arg16 : memref<128x16xf32, #tpu.memory_space<vmem>>)
    %dma_wait3A_51 = arith.constant 0 : i32
    %dma_wait3A_52 = tpu.memref_slice %arg14[%dma_wait3A_51] : memref<2560xi32, #tpu.memory_space<vmem>> -> memref<128xi32, #tpu.memory_space<vmem>>
    %dma_wait3A_53 = arith.constant 0 : i32
    %dma_wait3A_54 = tpu.memref_slice %arg13[%dma_wait3A_53] : memref<2560xi32, #tpu.memory_space<vmem>> -> memref<128xi32, #tpu.memory_space<vmem>>
    %dma_wait3A_55 = arith.constant 0 : i32
    %dma_wait3A_56 = tpu.memref_slice %arg5[%dma_wait3A_55] : memref<4000000xi32, #tpu.memory_space<hbm>> -> memref<4000000xi32, #tpu.memory_space<hbm>>
    tpu.wait_indirect_dma semaphore(%arg18 : memref<!tpu.dma_semaphore, #tpu.memory_space<semaphore_mem>>) src(%dma_wait3A_56 : memref<4000000xi32, #tpu.memory_space<hbm>>) dst(%dma_wait3A_52 : memref<128xi32, #tpu.memory_space<vmem>>)
    %dma_wait3A_57 = arith.constant 128 : i32
    %dma_wait3A_58 = tpu.memref_slice %arg14[%dma_wait3A_57] : memref<2560xi32, #tpu.memory_space<vmem>> -> memref<128xi32, #tpu.memory_space<vmem>>
    %dma_wait3A_59 = arith.constant 128 : i32
    %dma_wait3A_60 = tpu.memref_slice %arg13[%dma_wait3A_59] : memref<2560xi32, #tpu.memory_space<vmem>> -> memref<128xi32, #tpu.memory_space<vmem>>
    %dma_wait3A_61 = arith.constant 0 : i32
    %dma_wait3A_62 = tpu.memref_slice %arg5[%dma_wait3A_61] : memref<4000000xi32, #tpu.memory_space<hbm>> -> memref<4000000xi32, #tpu.memory_space<hbm>>
    tpu.wait_indirect_dma semaphore(%arg18 : memref<!tpu.dma_semaphore, #tpu.memory_space<semaphore_mem>>) src(%dma_wait3A_62 : memref<4000000xi32, #tpu.memory_space<hbm>>) dst(%dma_wait3A_58 : memref<128xi32, #tpu.memory_space<vmem>>)
    %dma_wait3A_63 = arith.constant 256 : i32
    %dma_wait3A_64 = tpu.memref_slice %arg14[%dma_wait3A_63] : memref<2560xi32, #tpu.memory_space<vmem>> -> memref<128xi32, #tpu.memory_space<vmem>>
    %dma_wait3A_65 = arith.constant 256 : i32
    %dma_wait3A_66 = tpu.memref_slice %arg13[%dma_wait3A_65] : memref<2560xi32, #tpu.memory_space<vmem>> -> memref<128xi32, #tpu.memory_space<vmem>>
    %dma_wait3A_67 = arith.constant 0 : i32
    %dma_wait3A_68 = tpu.memref_slice %arg5[%dma_wait3A_67] : memref<4000000xi32, #tpu.memory_space<hbm>> -> memref<4000000xi32, #tpu.memory_space<hbm>>
    tpu.wait_indirect_dma semaphore(%arg18 : memref<!tpu.dma_semaphore, #tpu.memory_space<semaphore_mem>>) src(%dma_wait3A_68 : memref<4000000xi32, #tpu.memory_space<hbm>>) dst(%dma_wait3A_64 : memref<128xi32, #tpu.memory_space<vmem>>)
    %dma_wait3A_69 = arith.constant 384 : i32
    %dma_wait3A_70 = tpu.memref_slice %arg14[%dma_wait3A_69] : memref<2560xi32, #tpu.memory_space<vmem>> -> memref<128xi32, #tpu.memory_space<vmem>>
    %dma_wait3A_71 = arith.constant 384 : i32
    %dma_wait3A_72 = tpu.memref_slice %arg13[%dma_wait3A_71] : memref<2560xi32, #tpu.memory_space<vmem>> -> memref<128xi32, #tpu.memory_space<vmem>>
    %dma_wait3A_73 = arith.constant 0 : i32
    %dma_wait3A_74 = tpu.memref_slice %arg5[%dma_wait3A_73] : memref<4000000xi32, #tpu.memory_space<hbm>> -> memref<4000000xi32, #tpu.memory_space<hbm>>
    tpu.wait_indirect_dma semaphore(%arg18 : memref<!tpu.dma_semaphore, #tpu.memory_space<semaphore_mem>>) src(%dma_wait3A_74 : memref<4000000xi32, #tpu.memory_space<hbm>>) dst(%dma_wait3A_70 : memref<128xi32, #tpu.memory_space<vmem>>)
    %dma_wait3A_75 = arith.constant 512 : i32
    %dma_wait3A_76 = tpu.memref_slice %arg14[%dma_wait3A_75] : memref<2560xi32, #tpu.memory_space<vmem>> -> memref<128xi32, #tpu.memory_space<vmem>>
    %dma_wait3A_77 = arith.constant 512 : i32
    %dma_wait3A_78 = tpu.memref_slice %arg13[%dma_wait3A_77] : memref<2560xi32, #tpu.memory_space<vmem>> -> memref<128xi32, #tpu.memory_space<vmem>>
    %dma_wait3A_79 = arith.constant 0 : i32
    %dma_wait3A_80 = tpu.memref_slice %arg5[%dma_wait3A_79] : memref<4000000xi32, #tpu.memory_space<hbm>> -> memref<4000000xi32, #tpu.memory_space<hbm>>
    tpu.wait_indirect_dma semaphore(%arg18 : memref<!tpu.dma_semaphore, #tpu.memory_space<semaphore_mem>>) src(%dma_wait3A_80 : memref<4000000xi32, #tpu.memory_space<hbm>>) dst(%dma_wait3A_76 : memref<128xi32, #tpu.memory_space<vmem>>)
    %dma_wait3A_81 = arith.constant 640 : i32
    %dma_wait3A_82 = tpu.memref_slice %arg14[%dma_wait3A_81] : memref<2560xi32, #tpu.memory_space<vmem>> -> memref<128xi32, #tpu.memory_space<vmem>>
    %dma_wait3A_83 = arith.constant 640 : i32
    %dma_wait3A_84 = tpu.memref_slice %arg13[%dma_wait3A_83] : memref<2560xi32, #tpu.memory_space<vmem>> -> memref<128xi32, #tpu.memory_space<vmem>>
    %dma_wait3A_85 = arith.constant 0 : i32
    %dma_wait3A_86 = tpu.memref_slice %arg5[%dma_wait3A_85] : memref<4000000xi32, #tpu.memory_space<hbm>> -> memref<4000000xi32, #tpu.memory_space<hbm>>
    tpu.wait_indirect_dma semaphore(%arg18 : memref<!tpu.dma_semaphore, #tpu.memory_space<semaphore_mem>>) src(%dma_wait3A_86 : memref<4000000xi32, #tpu.memory_space<hbm>>) dst(%dma_wait3A_82 : memref<128xi32, #tpu.memory_space<vmem>>)
    %dma_start3A_87 = arith.constant 768 : i32
    %dma_start3A_88 = tpu.memref_slice %arg14[%dma_start3A_87] : memref<2560xi32, #tpu.memory_space<vmem>> -> memref<128xi32, #tpu.memory_space<vmem>>
    %dma_start3A_89 = arith.constant 768 : i32
    %dma_start3A_90 = tpu.memref_slice %arg13[%dma_start3A_89] : memref<2560xi32, #tpu.memory_space<vmem>> -> memref<128xi32, #tpu.memory_space<vmem>>
    %dma_start3A_91 = arith.constant 0 : i32
    %dma_start3A_92 = tpu.memref_slice %arg5[%dma_start3A_91] : memref<4000000xi32, #tpu.memory_space<hbm>> -> memref<4000000xi32, #tpu.memory_space<hbm>>
    tpu.enqueue_indirect_dma source(%dma_start3A_92 : memref<4000000xi32, #tpu.memory_space<hbm>>) target(%dma_start3A_88 : memref<128xi32, #tpu.memory_space<vmem>>) offsets(%dma_start3A_90 : memref<128xi32, #tpu.memory_space<vmem>>) semaphore(%arg18 : memref<!tpu.dma_semaphore, #tpu.memory_space<semaphore_mem>>)
    %dma_start3A_93 = arith.constant 896 : i32
    %dma_start3A_94 = tpu.memref_slice %arg14[%dma_start3A_93] : memref<2560xi32, #tpu.memory_space<vmem>> -> memref<128xi32, #tpu.memory_space<vmem>>
    %dma_start3A_95 = arith.constant 896 : i32
    %dma_start3A_96 = tpu.memref_slice %arg13[%dma_start3A_95] : memref<2560xi32, #tpu.memory_space<vmem>> -> memref<128xi32, #tpu.memory_space<vmem>>
    %dma_start3A_97 = arith.constant 0 : i32
    %dma_start3A_98 = tpu.memref_slice %arg5[%dma_start3A_97] : memref<4000000xi32, #tpu.memory_space<hbm>> -> memref<4000000xi32, #tpu.memory_space<hbm>>
    tpu.enqueue_indirect_dma source(%dma_start3A_98 : memref<4000000xi32, #tpu.memory_space<hbm>>) target(%dma_start3A_94 : memref<128xi32, #tpu.memory_space<vmem>>) offsets(%dma_start3A_96 : memref<128xi32, #tpu.memory_space<vmem>>) semaphore(%arg18 : memref<!tpu.dma_semaphore, #tpu.memory_space<semaphore_mem>>)
    %dma_start3A_99 = arith.constant 1024 : i32
    %dma_start3A_100 = tpu.memref_slice %arg14[%dma_start3A_99] : memref<2560xi32, #tpu.memory_space<vmem>> -> memref<128xi32, #tpu.memory_space<vmem>>
    %dma_start3A_101 = arith.constant 1024 : i32
    %dma_start3A_102 = tpu.memref_slice %arg13[%dma_start3A_101] : memref<2560xi32, #tpu.memory_space<vmem>> -> memref<128xi32, #tpu.memory_space<vmem>>
    %dma_start3A_103 = arith.constant 0 : i32
    %dma_start3A_104 = tpu.memref_slice %arg5[%dma_start3A_103] : memref<4000000xi32, #tpu.memory_space<hbm>> -> memref<4000000xi32, #tpu.memory_space<hbm>>
    tpu.enqueue_indirect_dma source(%dma_start3A_104 : memref<4000000xi32, #tpu.memory_space<hbm>>) target(%dma_start3A_100 : memref<128xi32, #tpu.memory_space<vmem>>) offsets(%dma_start3A_102 : memref<128xi32, #tpu.memory_space<vmem>>) semaphore(%arg18 : memref<!tpu.dma_semaphore, #tpu.memory_space<semaphore_mem>>)
    %dma_start3A_105 = arith.constant 1152 : i32
    %dma_start3A_106 = tpu.memref_slice %arg14[%dma_start3A_105] : memref<2560xi32, #tpu.memory_space<vmem>> -> memref<128xi32, #tpu.memory_space<vmem>>
    %dma_start3A_107 = arith.constant 1152 : i32
    %dma_start3A_108 = tpu.memref_slice %arg13[%dma_start3A_107] : memref<2560xi32, #tpu.memory_space<vmem>> -> memref<128xi32, #tpu.memory_space<vmem>>
    %dma_start3A_109 = arith.constant 0 : i32
    %dma_start3A_110 = tpu.memref_slice %arg5[%dma_start3A_109] : memref<4000000xi32, #tpu.memory_space<hbm>> -> memref<4000000xi32, #tpu.memory_space<hbm>>
    tpu.enqueue_indirect_dma source(%dma_start3A_110 : memref<4000000xi32, #tpu.memory_space<hbm>>) target(%dma_start3A_106 : memref<128xi32, #tpu.memory_space<vmem>>) offsets(%dma_start3A_108 : memref<128xi32, #tpu.memory_space<vmem>>) semaphore(%arg18 : memref<!tpu.dma_semaphore, #tpu.memory_space<semaphore_mem>>)
    %dma_start3A_111 = arith.constant 1280 : i32
    %dma_start3A_112 = tpu.memref_slice %arg14[%dma_start3A_111] : memref<2560xi32, #tpu.memory_space<vmem>> -> memref<128xi32, #tpu.memory_space<vmem>>
    %dma_start3A_113 = arith.constant 1280 : i32
    %dma_start3A_114 = tpu.memref_slice %arg13[%dma_start3A_113] : memref<2560xi32, #tpu.memory_space<vmem>> -> memref<128xi32, #tpu.memory_space<vmem>>
    %dma_start3A_115 = arith.constant 0 : i32
    %dma_start3A_116 = tpu.memref_slice %arg5[%dma_start3A_115] : memref<4000000xi32, #tpu.memory_space<hbm>> -> memref<4000000xi32, #tpu.memory_space<hbm>>
    tpu.enqueue_indirect_dma source(%dma_start3A_116 : memref<4000000xi32, #tpu.memory_space<hbm>>) target(%dma_start3A_112 : memref<128xi32, #tpu.memory_space<vmem>>) offsets(%dma_start3A_114 : memref<128xi32, #tpu.memory_space<vmem>>) semaphore(%arg18 : memref<!tpu.dma_semaphore, #tpu.memory_space<semaphore_mem>>)
    %dma_start3A_117 = arith.constant 1408 : i32
    %dma_start3A_118 = tpu.memref_slice %arg14[%dma_start3A_117] : memref<2560xi32, #tpu.memory_space<vmem>> -> memref<128xi32, #tpu.memory_space<vmem>>
    %dma_start3A_119 = arith.constant 1408 : i32
    %dma_start3A_120 = tpu.memref_slice %arg13[%dma_start3A_119] : memref<2560xi32, #tpu.memory_space<vmem>> -> memref<128xi32, #tpu.memory_space<vmem>>
    %dma_start3A_121 = arith.constant 0 : i32
    %dma_start3A_122 = tpu.memref_slice %arg5[%dma_start3A_121] : memref<4000000xi32, #tpu.memory_space<hbm>> -> memref<4000000xi32, #tpu.memory_space<hbm>>
    tpu.enqueue_indirect_dma source(%dma_start3A_122 : memref<4000000xi32, #tpu.memory_space<hbm>>) target(%dma_start3A_118 : memref<128xi32, #tpu.memory_space<vmem>>) offsets(%dma_start3A_120 : memref<128xi32, #tpu.memory_space<vmem>>) semaphore(%arg18 : memref<!tpu.dma_semaphore, #tpu.memory_space<semaphore_mem>>)
    %dma_start3A_123 = arith.constant 1536 : i32
    %dma_start3A_124 = tpu.memref_slice %arg14[%dma_start3A_123] : memref<2560xi32, #tpu.memory_space<vmem>> -> memref<128xi32, #tpu.memory_space<vmem>>
    %dma_start3A_125 = arith.constant 1536 : i32
    %dma_start3A_126 = tpu.memref_slice %arg13[%dma_start3A_125] : memref<2560xi32, #tpu.memory_space<vmem>> -> memref<128xi32, #tpu.memory_space<vmem>>
    %dma_start3A_127 = arith.constant 0 : i32
    %dma_start3A_128 = tpu.memref_slice %arg5[%dma_start3A_127] : memref<4000000xi32, #tpu.memory_space<hbm>> -> memref<4000000xi32, #tpu.memory_space<hbm>>
    tpu.enqueue_indirect_dma source(%dma_start3A_128 : memref<4000000xi32, #tpu.memory_space<hbm>>) target(%dma_start3A_124 : memref<128xi32, #tpu.memory_space<vmem>>) offsets(%dma_start3A_126 : memref<128xi32, #tpu.memory_space<vmem>>) semaphore(%arg18 : memref<!tpu.dma_semaphore, #tpu.memory_space<semaphore_mem>>)
    %dma_start3A_129 = arith.constant 1664 : i32
    %dma_start3A_130 = tpu.memref_slice %arg14[%dma_start3A_129] : memref<2560xi32, #tpu.memory_space<vmem>> -> memref<128xi32, #tpu.memory_space<vmem>>
    %dma_start3A_131 = arith.constant 1664 : i32
    %dma_start3A_132 = tpu.memref_slice %arg13[%dma_start3A_131] : memref<2560xi32, #tpu.memory_space<vmem>> -> memref<128xi32, #tpu.memory_space<vmem>>
    %dma_start3A_133 = arith.constant 0 : i32
    %dma_start3A_134 = tpu.memref_slice %arg5[%dma_start3A_133] : memref<4000000xi32, #tpu.memory_space<hbm>> -> memref<4000000xi32, #tpu.memory_space<hbm>>
    tpu.enqueue_indirect_dma source(%dma_start3A_134 : memref<4000000xi32, #tpu.memory_space<hbm>>) target(%dma_start3A_130 : memref<128xi32, #tpu.memory_space<vmem>>) offsets(%dma_start3A_132 : memref<128xi32, #tpu.memory_space<vmem>>) semaphore(%arg18 : memref<!tpu.dma_semaphore, #tpu.memory_space<semaphore_mem>>)
    %dma_wait3A_135 = arith.constant 768 : i32
    %dma_wait3A_136 = tpu.memref_slice %arg14[%dma_wait3A_135] : memref<2560xi32, #tpu.memory_space<vmem>> -> memref<128xi32, #tpu.memory_space<vmem>>
    %dma_wait3A_137 = arith.constant 768 : i32
    %dma_wait3A_138 = tpu.memref_slice %arg13[%dma_wait3A_137] : memref<2560xi32, #tpu.memory_space<vmem>> -> memref<128xi32, #tpu.memory_space<vmem>>
    %dma_wait3A_139 = arith.constant 0 : i32
    %dma_wait3A_140 = tpu.memref_slice %arg5[%dma_wait3A_139] : memref<4000000xi32, #tpu.memory_space<hbm>> -> memref<4000000xi32, #tpu.memory_space<hbm>>
    tpu.wait_indirect_dma semaphore(%arg18 : memref<!tpu.dma_semaphore, #tpu.memory_space<semaphore_mem>>) src(%dma_wait3A_140 : memref<4000000xi32, #tpu.memory_space<hbm>>) dst(%dma_wait3A_136 : memref<128xi32, #tpu.memory_space<vmem>>)
    %dma_wait3A_141 = arith.constant 896 : i32
    %dma_wait3A_142 = tpu.memref_slice %arg14[%dma_wait3A_141] : memref<2560xi32, #tpu.memory_space<vmem>> -> memref<128xi32, #tpu.memory_space<vmem>>
    %dma_wait3A_143 = arith.constant 896 : i32
    %dma_wait3A_144 = tpu.memref_slice %arg13[%dma_wait3A_143] : memref<2560xi32, #tpu.memory_space<vmem>> -> memref<128xi32, #tpu.memory_space<vmem>>
    %dma_wait3A_145 = arith.constant 0 : i32
    %dma_wait3A_146 = tpu.memref_slice %arg5[%dma_wait3A_145] : memref<4000000xi32, #tpu.memory_space<hbm>> -> memref<4000000xi32, #tpu.memory_space<hbm>>
    tpu.wait_indirect_dma semaphore(%arg18 : memref<!tpu.dma_semaphore, #tpu.memory_space<semaphore_mem>>) src(%dma_wait3A_146 : memref<4000000xi32, #tpu.memory_space<hbm>>) dst(%dma_wait3A_142 : memref<128xi32, #tpu.memory_space<vmem>>)
    %dma_wait3A_147 = arith.constant 1024 : i32
    %dma_wait3A_148 = tpu.memref_slice %arg14[%dma_wait3A_147] : memref<2560xi32, #tpu.memory_space<vmem>> -> memref<128xi32, #tpu.memory_space<vmem>>
    %dma_wait3A_149 = arith.constant 1024 : i32
    %dma_wait3A_150 = tpu.memref_slice %arg13[%dma_wait3A_149] : memref<2560xi32, #tpu.memory_space<vmem>> -> memref<128xi32, #tpu.memory_space<vmem>>
    %dma_wait3A_151 = arith.constant 0 : i32
    %dma_wait3A_152 = tpu.memref_slice %arg5[%dma_wait3A_151] : memref<4000000xi32, #tpu.memory_space<hbm>> -> memref<4000000xi32, #tpu.memory_space<hbm>>
    tpu.wait_indirect_dma semaphore(%arg18 : memref<!tpu.dma_semaphore, #tpu.memory_space<semaphore_mem>>) src(%dma_wait3A_152 : memref<4000000xi32, #tpu.memory_space<hbm>>) dst(%dma_wait3A_148 : memref<128xi32, #tpu.memory_space<vmem>>)
    %dma_wait3A_153 = arith.constant 1152 : i32
    %dma_wait3A_154 = tpu.memref_slice %arg14[%dma_wait3A_153] : memref<2560xi32, #tpu.memory_space<vmem>> -> memref<128xi32, #tpu.memory_space<vmem>>
    %dma_wait3A_155 = arith.constant 1152 : i32
    %dma_wait3A_156 = tpu.memref_slice %arg13[%dma_wait3A_155] : memref<2560xi32, #tpu.memory_space<vmem>> -> memref<128xi32, #tpu.memory_space<vmem>>
    %dma_wait3A_157 = arith.constant 0 : i32
    %dma_wait3A_158 = tpu.memref_slice %arg5[%dma_wait3A_157] : memref<4000000xi32, #tpu.memory_space<hbm>> -> memref<4000000xi32, #tpu.memory_space<hbm>>
    tpu.wait_indirect_dma semaphore(%arg18 : memref<!tpu.dma_semaphore, #tpu.memory_space<semaphore_mem>>) src(%dma_wait3A_158 : memref<4000000xi32, #tpu.memory_space<hbm>>) dst(%dma_wait3A_154 : memref<128xi32, #tpu.memory_space<vmem>>)
    %dma_wait3A_159 = arith.constant 1280 : i32
    %dma_wait3A_160 = tpu.memref_slice %arg14[%dma_wait3A_159] : memref<2560xi32, #tpu.memory_space<vmem>> -> memref<128xi32, #tpu.memory_space<vmem>>
    %dma_wait3A_161 = arith.constant 1280 : i32
    %dma_wait3A_162 = tpu.memref_slice %arg13[%dma_wait3A_161] : memref<2560xi32, #tpu.memory_space<vmem>> -> memref<128xi32, #tpu.memory_space<vmem>>
    %dma_wait3A_163 = arith.constant 0 : i32
    %dma_wait3A_164 = tpu.memref_slice %arg5[%dma_wait3A_163] : memref<4000000xi32, #tpu.memory_space<hbm>> -> memref<4000000xi32, #tpu.memory_space<hbm>>
    tpu.wait_indirect_dma semaphore(%arg18 : memref<!tpu.dma_semaphore, #tpu.memory_space<semaphore_mem>>) src(%dma_wait3A_164 : memref<4000000xi32, #tpu.memory_space<hbm>>) dst(%dma_wait3A_160 : memref<128xi32, #tpu.memory_space<vmem>>)
    %dma_wait3A_165 = arith.constant 1408 : i32
    %dma_wait3A_166 = tpu.memref_slice %arg14[%dma_wait3A_165] : memref<2560xi32, #tpu.memory_space<vmem>> -> memref<128xi32, #tpu.memory_space<vmem>>
    %dma_wait3A_167 = arith.constant 1408 : i32
    %dma_wait3A_168 = tpu.memref_slice %arg13[%dma_wait3A_167] : memref<2560xi32, #tpu.memory_space<vmem>> -> memref<128xi32, #tpu.memory_space<vmem>>
    %dma_wait3A_169 = arith.constant 0 : i32
    %dma_wait3A_170 = tpu.memref_slice %arg5[%dma_wait3A_169] : memref<4000000xi32, #tpu.memory_space<hbm>> -> memref<4000000xi32, #tpu.memory_space<hbm>>
    tpu.wait_indirect_dma semaphore(%arg18 : memref<!tpu.dma_semaphore, #tpu.memory_space<semaphore_mem>>) src(%dma_wait3A_170 : memref<4000000xi32, #tpu.memory_space<hbm>>) dst(%dma_wait3A_166 : memref<128xi32, #tpu.memory_space<vmem>>)
    %dma_wait3A_171 = arith.constant 1536 : i32
    %dma_wait3A_172 = tpu.memref_slice %arg14[%dma_wait3A_171] : memref<2560xi32, #tpu.memory_space<vmem>> -> memref<128xi32, #tpu.memory_space<vmem>>
    %dma_wait3A_173 = arith.constant 1536 : i32
    %dma_wait3A_174 = tpu.memref_slice %arg13[%dma_wait3A_173] : memref<2560xi32, #tpu.memory_space<vmem>> -> memref<128xi32, #tpu.memory_space<vmem>>
    %dma_wait3A_175 = arith.constant 0 : i32
    %dma_wait3A_176 = tpu.memref_slice %arg5[%dma_wait3A_175] : memref<4000000xi32, #tpu.memory_space<hbm>> -> memref<4000000xi32, #tpu.memory_space<hbm>>
    tpu.wait_indirect_dma semaphore(%arg18 : memref<!tpu.dma_semaphore, #tpu.memory_space<semaphore_mem>>) src(%dma_wait3A_176 : memref<4000000xi32, #tpu.memory_space<hbm>>) dst(%dma_wait3A_172 : memref<128xi32, #tpu.memory_space<vmem>>)
    %dma_wait3A_177 = arith.constant 1664 : i32
    %dma_wait3A_178 = tpu.memref_slice %arg14[%dma_wait3A_177] : memref<2560xi32, #tpu.memory_space<vmem>> -> memref<128xi32, #tpu.memory_space<vmem>>
    %dma_wait3A_179 = arith.constant 1664 : i32
    %dma_wait3A_180 = tpu.memref_slice %arg13[%dma_wait3A_179] : memref<2560xi32, #tpu.memory_space<vmem>> -> memref<128xi32, #tpu.memory_space<vmem>>
    %dma_wait3A_181 = arith.constant 0 : i32
    %dma_wait3A_182 = tpu.memref_slice %arg5[%dma_wait3A_181] : memref<4000000xi32, #tpu.memory_space<hbm>> -> memref<4000000xi32, #tpu.memory_space<hbm>>
    tpu.wait_indirect_dma semaphore(%arg18 : memref<!tpu.dma_semaphore, #tpu.memory_space<semaphore_mem>>) src(%dma_wait3A_182 : memref<4000000xi32, #tpu.memory_space<hbm>>) dst(%dma_wait3A_178 : memref<128xi32, #tpu.memory_space<vmem>>)
    %dma_start3A_183 = arith.constant 1792 : i32
    %dma_start3A_184 = tpu.memref_slice %arg14[%dma_start3A_183] : memref<2560xi32, #tpu.memory_space<vmem>> -> memref<128xi32, #tpu.memory_space<vmem>>
    %dma_start3A_185 = arith.constant 1792 : i32
    %dma_start3A_186 = tpu.memref_slice %arg13[%dma_start3A_185] : memref<2560xi32, #tpu.memory_space<vmem>> -> memref<128xi32, #tpu.memory_space<vmem>>
    %dma_start3A_187 = arith.constant 0 : i32
    %dma_start3A_188 = tpu.memref_slice %arg5[%dma_start3A_187] : memref<4000000xi32, #tpu.memory_space<hbm>> -> memref<4000000xi32, #tpu.memory_space<hbm>>
    tpu.enqueue_indirect_dma source(%dma_start3A_188 : memref<4000000xi32, #tpu.memory_space<hbm>>) target(%dma_start3A_184 : memref<128xi32, #tpu.memory_space<vmem>>) offsets(%dma_start3A_186 : memref<128xi32, #tpu.memory_space<vmem>>) semaphore(%arg18 : memref<!tpu.dma_semaphore, #tpu.memory_space<semaphore_mem>>)
    %dma_start3A_189 = arith.constant 1920 : i32
    %dma_start3A_190 = tpu.memref_slice %arg14[%dma_start3A_189] : memref<2560xi32, #tpu.memory_space<vmem>> -> memref<128xi32, #tpu.memory_space<vmem>>
    %dma_start3A_191 = arith.constant 1920 : i32
    %dma_start3A_192 = tpu.memref_slice %arg13[%dma_start3A_191] : memref<2560xi32, #tpu.memory_space<vmem>> -> memref<128xi32, #tpu.memory_space<vmem>>
    %dma_start3A_193 = arith.constant 0 : i32
    %dma_start3A_194 = tpu.memref_slice %arg5[%dma_start3A_193] : memref<4000000xi32, #tpu.memory_space<hbm>> -> memref<4000000xi32, #tpu.memory_space<hbm>>
    tpu.enqueue_indirect_dma source(%dma_start3A_194 : memref<4000000xi32, #tpu.memory_space<hbm>>) target(%dma_start3A_190 : memref<128xi32, #tpu.memory_space<vmem>>) offsets(%dma_start3A_192 : memref<128xi32, #tpu.memory_space<vmem>>) semaphore(%arg18 : memref<!tpu.dma_semaphore, #tpu.memory_space<semaphore_mem>>)
    %dma_start3A_195 = arith.constant 2048 : i32
    %dma_start3A_196 = tpu.memref_slice %arg14[%dma_start3A_195] : memref<2560xi32, #tpu.memory_space<vmem>> -> memref<128xi32, #tpu.memory_space<vmem>>
    %dma_start3A_197 = arith.constant 2048 : i32
    %dma_start3A_198 = tpu.memref_slice %arg13[%dma_start3A_197] : memref<2560xi32, #tpu.memory_space<vmem>> -> memref<128xi32, #tpu.memory_space<vmem>>
    %dma_start3A_199 = arith.constant 0 : i32
    %dma_start3A_200 = tpu.memref_slice %arg5[%dma_start3A_199] : memref<4000000xi32, #tpu.memory_space<hbm>> -> memref<4000000xi32, #tpu.memory_space<hbm>>
    tpu.enqueue_indirect_dma source(%dma_start3A_200 : memref<4000000xi32, #tpu.memory_space<hbm>>) target(%dma_start3A_196 : memref<128xi32, #tpu.memory_space<vmem>>) offsets(%dma_start3A_198 : memref<128xi32, #tpu.memory_space<vmem>>) semaphore(%arg18 : memref<!tpu.dma_semaphore, #tpu.memory_space<semaphore_mem>>)
    %dma_start3A_201 = arith.constant 2176 : i32
    %dma_start3A_202 = tpu.memref_slice %arg14[%dma_start3A_201] : memref<2560xi32, #tpu.memory_space<vmem>> -> memref<128xi32, #tpu.memory_space<vmem>>
    %dma_start3A_203 = arith.constant 2176 : i32
    %dma_start3A_204 = tpu.memref_slice %arg13[%dma_start3A_203] : memref<2560xi32, #tpu.memory_space<vmem>> -> memref<128xi32, #tpu.memory_space<vmem>>
    %dma_start3A_205 = arith.constant 0 : i32
    %dma_start3A_206 = tpu.memref_slice %arg5[%dma_start3A_205] : memref<4000000xi32, #tpu.memory_space<hbm>> -> memref<4000000xi32, #tpu.memory_space<hbm>>
    tpu.enqueue_indirect_dma source(%dma_start3A_206 : memref<4000000xi32, #tpu.memory_space<hbm>>) target(%dma_start3A_202 : memref<128xi32, #tpu.memory_space<vmem>>) offsets(%dma_start3A_204 : memref<128xi32, #tpu.memory_space<vmem>>) semaphore(%arg18 : memref<!tpu.dma_semaphore, #tpu.memory_space<semaphore_mem>>)
    %dma_start3A_207 = arith.constant 2304 : i32
    %dma_start3A_208 = tpu.memref_slice %arg14[%dma_start3A_207] : memref<2560xi32, #tpu.memory_space<vmem>> -> memref<128xi32, #tpu.memory_space<vmem>>
    %dma_start3A_209 = arith.constant 2304 : i32
    %dma_start3A_210 = tpu.memref_slice %arg13[%dma_start3A_209] : memref<2560xi32, #tpu.memory_space<vmem>> -> memref<128xi32, #tpu.memory_space<vmem>>
    %dma_start3A_211 = arith.constant 0 : i32
    %dma_start3A_212 = tpu.memref_slice %arg5[%dma_start3A_211] : memref<4000000xi32, #tpu.memory_space<hbm>> -> memref<4000000xi32, #tpu.memory_space<hbm>>
    tpu.enqueue_indirect_dma source(%dma_start3A_212 : memref<4000000xi32, #tpu.memory_space<hbm>>) target(%dma_start3A_208 : memref<128xi32, #tpu.memory_space<vmem>>) offsets(%dma_start3A_210 : memref<128xi32, #tpu.memory_space<vmem>>) semaphore(%arg18 : memref<!tpu.dma_semaphore, #tpu.memory_space<semaphore_mem>>)
    %dma_start3A_213 = arith.constant 2432 : i32
    %dma_start3A_214 = tpu.memref_slice %arg14[%dma_start3A_213] : memref<2560xi32, #tpu.memory_space<vmem>> -> memref<128xi32, #tpu.memory_space<vmem>>
    %dma_start3A_215 = arith.constant 2432 : i32
    %dma_start3A_216 = tpu.memref_slice %arg13[%dma_start3A_215] : memref<2560xi32, #tpu.memory_space<vmem>> -> memref<128xi32, #tpu.memory_space<vmem>>
    %dma_start3A_217 = arith.constant 0 : i32
    %dma_start3A_218 = tpu.memref_slice %arg5[%dma_start3A_217] : memref<4000000xi32, #tpu.memory_space<hbm>> -> memref<4000000xi32, #tpu.memory_space<hbm>>
    tpu.enqueue_indirect_dma source(%dma_start3A_218 : memref<4000000xi32, #tpu.memory_space<hbm>>) target(%dma_start3A_214 : memref<128xi32, #tpu.memory_space<vmem>>) offsets(%dma_start3A_216 : memref<128xi32, #tpu.memory_space<vmem>>) semaphore(%arg18 : memref<!tpu.dma_semaphore, #tpu.memory_space<semaphore_mem>>)
    %dma_wait3A_219 = arith.constant 1792 : i32
    %dma_wait3A_220 = tpu.memref_slice %arg14[%dma_wait3A_219] : memref<2560xi32, #tpu.memory_space<vmem>> -> memref<128xi32, #tpu.memory_space<vmem>>
    %dma_wait3A_221 = arith.constant 1792 : i32
    %dma_wait3A_222 = tpu.memref_slice %arg13[%dma_wait3A_221] : memref<2560xi32, #tpu.memory_space<vmem>> -> memref<128xi32, #tpu.memory_space<vmem>>
    %dma_wait3A_223 = arith.constant 0 : i32
    %dma_wait3A_224 = tpu.memref_slice %arg5[%dma_wait3A_223] : memref<4000000xi32, #tpu.memory_space<hbm>> -> memref<4000000xi32, #tpu.memory_space<hbm>>
    tpu.wait_indirect_dma semaphore(%arg18 : memref<!tpu.dma_semaphore, #tpu.memory_space<semaphore_mem>>) src(%dma_wait3A_224 : memref<4000000xi32, #tpu.memory_space<hbm>>) dst(%dma_wait3A_220 : memref<128xi32, #tpu.memory_space<vmem>>)
    %dma_wait3A_225 = arith.constant 1920 : i32
    %dma_wait3A_226 = tpu.memref_slice %arg14[%dma_wait3A_225] : memref<2560xi32, #tpu.memory_space<vmem>> -> memref<128xi32, #tpu.memory_space<vmem>>
    %dma_wait3A_227 = arith.constant 1920 : i32
    %dma_wait3A_228 = tpu.memref_slice %arg13[%dma_wait3A_227] : memref<2560xi32, #tpu.memory_space<vmem>> -> memref<128xi32, #tpu.memory_space<vmem>>
    %dma_wait3A_229 = arith.constant 0 : i32
    %dma_wait3A_230 = tpu.memref_slice %arg5[%dma_wait3A_229] : memref<4000000xi32, #tpu.memory_space<hbm>> -> memref<4000000xi32, #tpu.memory_space<hbm>>
    tpu.wait_indirect_dma semaphore(%arg18 : memref<!tpu.dma_semaphore, #tpu.memory_space<semaphore_mem>>) src(%dma_wait3A_230 : memref<4000000xi32, #tpu.memory_space<hbm>>) dst(%dma_wait3A_226 : memref<128xi32, #tpu.memory_space<vmem>>)
    %dma_wait3A_231 = arith.constant 2048 : i32
    %dma_wait3A_232 = tpu.memref_slice %arg14[%dma_wait3A_231] : memref<2560xi32, #tpu.memory_space<vmem>> -> memref<128xi32, #tpu.memory_space<vmem>>
    %dma_wait3A_233 = arith.constant 2048 : i32
    %dma_wait3A_234 = tpu.memref_slice %arg13[%dma_wait3A_233] : memref<2560xi32, #tpu.memory_space<vmem>> -> memref<128xi32, #tpu.memory_space<vmem>>
    %dma_wait3A_235 = arith.constant 0 : i32
    %dma_wait3A_236 = tpu.memref_slice %arg5[%dma_wait3A_235] : memref<4000000xi32, #tpu.memory_space<hbm>> -> memref<4000000xi32, #tpu.memory_space<hbm>>
    tpu.wait_indirect_dma semaphore(%arg18 : memref<!tpu.dma_semaphore, #tpu.memory_space<semaphore_mem>>) src(%dma_wait3A_236 : memref<4000000xi32, #tpu.memory_space<hbm>>) dst(%dma_wait3A_232 : memref<128xi32, #tpu.memory_space<vmem>>)
    %dma_wait3A_237 = arith.constant 2176 : i32
    %dma_wait3A_238 = tpu.memref_slice %arg14[%dma_wait3A_237] : memref<2560xi32, #tpu.memory_space<vmem>> -> memref<128xi32, #tpu.memory_space<vmem>>
    %dma_wait3A_239 = arith.constant 2176 : i32
    %dma_wait3A_240 = tpu.memref_slice %arg13[%dma_wait3A_239] : memref<2560xi32, #tpu.memory_space<vmem>> -> memref<128xi32, #tpu.memory_space<vmem>>
    %dma_wait3A_241 = arith.constant 0 : i32
    %dma_wait3A_242 = tpu.memref_slice %arg5[%dma_wait3A_241] : memref<4000000xi32, #tpu.memory_space<hbm>> -> memref<4000000xi32, #tpu.memory_space<hbm>>
    tpu.wait_indirect_dma semaphore(%arg18 : memref<!tpu.dma_semaphore, #tpu.memory_space<semaphore_mem>>) src(%dma_wait3A_242 : memref<4000000xi32, #tpu.memory_space<hbm>>) dst(%dma_wait3A_238 : memref<128xi32, #tpu.memory_space<vmem>>)
    %dma_wait3A_243 = arith.constant 2304 : i32
    %dma_wait3A_244 = tpu.memref_slice %arg14[%dma_wait3A_243] : memref<2560xi32, #tpu.memory_space<vmem>> -> memref<128xi32, #tpu.memory_space<vmem>>
    %dma_wait3A_245 = arith.constant 2304 : i32
    %dma_wait3A_246 = tpu.memref_slice %arg13[%dma_wait3A_245] : memref<2560xi32, #tpu.memory_space<vmem>> -> memref<128xi32, #tpu.memory_space<vmem>>
    %dma_wait3A_247 = arith.constant 0 : i32
    %dma_wait3A_248 = tpu.memref_slice %arg5[%dma_wait3A_247] : memref<4000000xi32, #tpu.memory_space<hbm>> -> memref<4000000xi32, #tpu.memory_space<hbm>>
    tpu.wait_indirect_dma semaphore(%arg18 : memref<!tpu.dma_semaphore, #tpu.memory_space<semaphore_mem>>) src(%dma_wait3A_248 : memref<4000000xi32, #tpu.memory_space<hbm>>) dst(%dma_wait3A_244 : memref<128xi32, #tpu.memory_space<vmem>>)
    %dma_wait3A_249 = arith.constant 2432 : i32
    %dma_wait3A_250 = tpu.memref_slice %arg14[%dma_wait3A_249] : memref<2560xi32, #tpu.memory_space<vmem>> -> memref<128xi32, #tpu.memory_space<vmem>>
    %dma_wait3A_251 = arith.constant 2432 : i32
    %dma_wait3A_252 = tpu.memref_slice %arg13[%dma_wait3A_251] : memref<2560xi32, #tpu.memory_space<vmem>> -> memref<128xi32, #tpu.memory_space<vmem>>
    %dma_wait3A_253 = arith.constant 0 : i32
    %dma_wait3A_254 = tpu.memref_slice %arg5[%dma_wait3A_253] : memref<4000000xi32, #tpu.memory_space<hbm>> -> memref<4000000xi32, #tpu.memory_space<hbm>>
    tpu.wait_indirect_dma semaphore(%arg18 : memref<!tpu.dma_semaphore, #tpu.memory_space<semaphore_mem>>) src(%dma_wait3A_254 : memref<4000000xi32, #tpu.memory_space<hbm>>) dst(%dma_wait3A_250 : memref<128xi32, #tpu.memory_space<vmem>>)
    %dma_start3A_255 = arith.constant 0 : i32
    %dma_start3A_256 = arith.constant 0 : i32
    %dma_start3A_257 = tpu.memref_slice %arg17[%dma_start3A_255, %dma_start3A_256] : memref<2560x16xf32, #tpu.memory_space<vmem>> -> memref<128x16xf32, #tpu.memory_space<vmem>>
    %dma_start3A_258 = arith.constant 0 : i32
    %dma_start3A_259 = tpu.memref_slice %arg14[%dma_start3A_258] : memref<2560xi32, #tpu.memory_space<vmem>> -> memref<128xi32, #tpu.memory_space<vmem>>
    %dma_start3A_260 = arith.constant 0 : i32
    %dma_start3A_261 = arith.constant 0 : i32
    %dma_start3A_262 = tpu.memref_slice %arg7[%dma_start3A_260, %dma_start3A_261] : memref<1000000x16xf32, #tpu.memory_space<hbm>> -> memref<1000000x16xf32, #tpu.memory_space<hbm>>
    tpu.enqueue_indirect_dma source(%dma_start3A_262 : memref<1000000x16xf32, #tpu.memory_space<hbm>>) target(%dma_start3A_257 : memref<128x16xf32, #tpu.memory_space<vmem>>) offsets(%dma_start3A_259 : memref<128xi32, #tpu.memory_space<vmem>>) semaphore(%arg18 : memref<!tpu.dma_semaphore, #tpu.memory_space<semaphore_mem>>)
    %dma_start3A_263 = arith.constant 128 : i32
    %dma_start3A_264 = arith.constant 0 : i32
    %dma_start3A_265 = tpu.memref_slice %arg17[%dma_start3A_263, %dma_start3A_264] : memref<2560x16xf32, #tpu.memory_space<vmem>> -> memref<128x16xf32, #tpu.memory_space<vmem>>
    %dma_start3A_266 = arith.constant 128 : i32
    %dma_start3A_267 = tpu.memref_slice %arg14[%dma_start3A_266] : memref<2560xi32, #tpu.memory_space<vmem>> -> memref<128xi32, #tpu.memory_space<vmem>>
    %dma_start3A_268 = arith.constant 0 : i32
    %dma_start3A_269 = arith.constant 0 : i32
    %dma_start3A_270 = tpu.memref_slice %arg7[%dma_start3A_268, %dma_start3A_269] : memref<1000000x16xf32, #tpu.memory_space<hbm>> -> memref<1000000x16xf32, #tpu.memory_space<hbm>>
    tpu.enqueue_indirect_dma source(%dma_start3A_270 : memref<1000000x16xf32, #tpu.memory_space<hbm>>) target(%dma_start3A_265 : memref<128x16xf32, #tpu.memory_space<vmem>>) offsets(%dma_start3A_267 : memref<128xi32, #tpu.memory_space<vmem>>) semaphore(%arg18 : memref<!tpu.dma_semaphore, #tpu.memory_space<semaphore_mem>>)
    %dma_start3A_271 = arith.constant 256 : i32
    %dma_start3A_272 = arith.constant 0 : i32
    %dma_start3A_273 = tpu.memref_slice %arg17[%dma_start3A_271, %dma_start3A_272] : memref<2560x16xf32, #tpu.memory_space<vmem>> -> memref<128x16xf32, #tpu.memory_space<vmem>>
    %dma_start3A_274 = arith.constant 256 : i32
    %dma_start3A_275 = tpu.memref_slice %arg14[%dma_start3A_274] : memref<2560xi32, #tpu.memory_space<vmem>> -> memref<128xi32, #tpu.memory_space<vmem>>
    %dma_start3A_276 = arith.constant 0 : i32
    %dma_start3A_277 = arith.constant 0 : i32
    %dma_start3A_278 = tpu.memref_slice %arg7[%dma_start3A_276, %dma_start3A_277] : memref<1000000x16xf32, #tpu.memory_space<hbm>> -> memref<1000000x16xf32, #tpu.memory_space<hbm>>
    tpu.enqueue_indirect_dma source(%dma_start3A_278 : memref<1000000x16xf32, #tpu.memory_space<hbm>>) target(%dma_start3A_273 : memref<128x16xf32, #tpu.memory_space<vmem>>) offsets(%dma_start3A_275 : memref<128xi32, #tpu.memory_space<vmem>>) semaphore(%arg18 : memref<!tpu.dma_semaphore, #tpu.memory_space<semaphore_mem>>)
    %dma_start3A_279 = arith.constant 384 : i32
    %dma_start3A_280 = arith.constant 0 : i32
    %dma_start3A_281 = tpu.memref_slice %arg17[%dma_start3A_279, %dma_start3A_280] : memref<2560x16xf32, #tpu.memory_space<vmem>> -> memref<128x16xf32, #tpu.memory_space<vmem>>
    %dma_start3A_282 = arith.constant 384 : i32
    %dma_start3A_283 = tpu.memref_slice %arg14[%dma_start3A_282] : memref<2560xi32, #tpu.memory_space<vmem>> -> memref<128xi32, #tpu.memory_space<vmem>>
    %dma_start3A_284 = arith.constant 0 : i32
    %dma_start3A_285 = arith.constant 0 : i32
    %dma_start3A_286 = tpu.memref_slice %arg7[%dma_start3A_284, %dma_start3A_285] : memref<1000000x16xf32, #tpu.memory_space<hbm>> -> memref<1000000x16xf32, #tpu.memory_space<hbm>>
    tpu.enqueue_indirect_dma source(%dma_start3A_286 : memref<1000000x16xf32, #tpu.memory_space<hbm>>) target(%dma_start3A_281 : memref<128x16xf32, #tpu.memory_space<vmem>>) offsets(%dma_start3A_283 : memref<128xi32, #tpu.memory_space<vmem>>) semaphore(%arg18 : memref<!tpu.dma_semaphore, #tpu.memory_space<semaphore_mem>>)
    %dma_start3A_287 = arith.constant 512 : i32
    %dma_start3A_288 = arith.constant 0 : i32
    %dma_start3A_289 = tpu.memref_slice %arg17[%dma_start3A_287, %dma_start3A_288] : memref<2560x16xf32, #tpu.memory_space<vmem>> -> memref<128x16xf32, #tpu.memory_space<vmem>>
    %dma_start3A_290 = arith.constant 512 : i32
    %dma_start3A_291 = tpu.memref_slice %arg14[%dma_start3A_290] : memref<2560xi32, #tpu.memory_space<vmem>> -> memref<128xi32, #tpu.memory_space<vmem>>
    %dma_start3A_292 = arith.constant 0 : i32
    %dma_start3A_293 = arith.constant 0 : i32
    %dma_start3A_294 = tpu.memref_slice %arg7[%dma_start3A_292, %dma_start3A_293] : memref<1000000x16xf32, #tpu.memory_space<hbm>> -> memref<1000000x16xf32, #tpu.memory_space<hbm>>
    tpu.enqueue_indirect_dma source(%dma_start3A_294 : memref<1000000x16xf32, #tpu.memory_space<hbm>>) target(%dma_start3A_289 : memref<128x16xf32, #tpu.memory_space<vmem>>) offsets(%dma_start3A_291 : memref<128xi32, #tpu.memory_space<vmem>>) semaphore(%arg18 : memref<!tpu.dma_semaphore, #tpu.memory_space<semaphore_mem>>)
    %dma_start3A_295 = arith.constant 640 : i32
    %dma_start3A_296 = arith.constant 0 : i32
    %dma_start3A_297 = tpu.memref_slice %arg17[%dma_start3A_295, %dma_start3A_296] : memref<2560x16xf32, #tpu.memory_space<vmem>> -> memref<128x16xf32, #tpu.memory_space<vmem>>
    %dma_start3A_298 = arith.constant 640 : i32
    %dma_start3A_299 = tpu.memref_slice %arg14[%dma_start3A_298] : memref<2560xi32, #tpu.memory_space<vmem>> -> memref<128xi32, #tpu.memory_space<vmem>>
    %dma_start3A_300 = arith.constant 0 : i32
    %dma_start3A_301 = arith.constant 0 : i32
    %dma_start3A_302 = tpu.memref_slice %arg7[%dma_start3A_300, %dma_start3A_301] : memref<1000000x16xf32, #tpu.memory_space<hbm>> -> memref<1000000x16xf32, #tpu.memory_space<hbm>>
    tpu.enqueue_indirect_dma source(%dma_start3A_302 : memref<1000000x16xf32, #tpu.memory_space<hbm>>) target(%dma_start3A_297 : memref<128x16xf32, #tpu.memory_space<vmem>>) offsets(%dma_start3A_299 : memref<128xi32, #tpu.memory_space<vmem>>) semaphore(%arg18 : memref<!tpu.dma_semaphore, #tpu.memory_space<semaphore_mem>>)
    %dma_start3A_303 = arith.constant 768 : i32
    %dma_start3A_304 = arith.constant 0 : i32
    %dma_start3A_305 = tpu.memref_slice %arg17[%dma_start3A_303, %dma_start3A_304] : memref<2560x16xf32, #tpu.memory_space<vmem>> -> memref<128x16xf32, #tpu.memory_space<vmem>>
    %dma_start3A_306 = arith.constant 768 : i32
    %dma_start3A_307 = tpu.memref_slice %arg14[%dma_start3A_306] : memref<2560xi32, #tpu.memory_space<vmem>> -> memref<128xi32, #tpu.memory_space<vmem>>
    %dma_start3A_308 = arith.constant 0 : i32
    %dma_start3A_309 = arith.constant 0 : i32
    %dma_start3A_310 = tpu.memref_slice %arg7[%dma_start3A_308, %dma_start3A_309] : memref<1000000x16xf32, #tpu.memory_space<hbm>> -> memref<1000000x16xf32, #tpu.memory_space<hbm>>
    tpu.enqueue_indirect_dma source(%dma_start3A_310 : memref<1000000x16xf32, #tpu.memory_space<hbm>>) target(%dma_start3A_305 : memref<128x16xf32, #tpu.memory_space<vmem>>) offsets(%dma_start3A_307 : memref<128xi32, #tpu.memory_space<vmem>>) semaphore(%arg18 : memref<!tpu.dma_semaphore, #tpu.memory_space<semaphore_mem>>)
    %dma_start3A_311 = arith.constant 896 : i32
    %dma_start3A_312 = arith.constant 0 : i32
    %dma_start3A_313 = tpu.memref_slice %arg17[%dma_start3A_311, %dma_start3A_312] : memref<2560x16xf32, #tpu.memory_space<vmem>> -> memref<128x16xf32, #tpu.memory_space<vmem>>
    %dma_start3A_314 = arith.constant 896 : i32
    %dma_start3A_315 = tpu.memref_slice %arg14[%dma_start3A_314] : memref<2560xi32, #tpu.memory_space<vmem>> -> memref<128xi32, #tpu.memory_space<vmem>>
    %dma_start3A_316 = arith.constant 0 : i32
    %dma_start3A_317 = arith.constant 0 : i32
    %dma_start3A_318 = tpu.memref_slice %arg7[%dma_start3A_316, %dma_start3A_317] : memref<1000000x16xf32, #tpu.memory_space<hbm>> -> memref<1000000x16xf32, #tpu.memory_space<hbm>>
    tpu.enqueue_indirect_dma source(%dma_start3A_318 : memref<1000000x16xf32, #tpu.memory_space<hbm>>) target(%dma_start3A_313 : memref<128x16xf32, #tpu.memory_space<vmem>>) offsets(%dma_start3A_315 : memref<128xi32, #tpu.memory_space<vmem>>) semaphore(%arg18 : memref<!tpu.dma_semaphore, #tpu.memory_space<semaphore_mem>>)
    %dma_wait3A_319 = arith.constant 0 : i32
    %dma_wait3A_320 = arith.constant 0 : i32
    %dma_wait3A_321 = tpu.memref_slice %arg17[%dma_wait3A_319, %dma_wait3A_320] : memref<2560x16xf32, #tpu.memory_space<vmem>> -> memref<128x16xf32, #tpu.memory_space<vmem>>
    %dma_wait3A_322 = arith.constant 0 : i32
    %dma_wait3A_323 = tpu.memref_slice %arg14[%dma_wait3A_322] : memref<2560xi32, #tpu.memory_space<vmem>> -> memref<128xi32, #tpu.memory_space<vmem>>
    %dma_wait3A_324 = arith.constant 0 : i32
    %dma_wait3A_325 = arith.constant 0 : i32
    %dma_wait3A_326 = tpu.memref_slice %arg7[%dma_wait3A_324, %dma_wait3A_325] : memref<1000000x16xf32, #tpu.memory_space<hbm>> -> memref<1000000x16xf32, #tpu.memory_space<hbm>>
    tpu.wait_indirect_dma semaphore(%arg18 : memref<!tpu.dma_semaphore, #tpu.memory_space<semaphore_mem>>) src(%dma_wait3A_326 : memref<1000000x16xf32, #tpu.memory_space<hbm>>) dst(%dma_wait3A_321 : memref<128x16xf32, #tpu.memory_space<vmem>>)
    %dma_wait3A_327 = arith.constant 128 : i32
    %dma_wait3A_328 = arith.constant 0 : i32
    %dma_wait3A_329 = tpu.memref_slice %arg17[%dma_wait3A_327, %dma_wait3A_328] : memref<2560x16xf32, #tpu.memory_space<vmem>> -> memref<128x16xf32, #tpu.memory_space<vmem>>
    %dma_wait3A_330 = arith.constant 128 : i32
    %dma_wait3A_331 = tpu.memref_slice %arg14[%dma_wait3A_330] : memref<2560xi32, #tpu.memory_space<vmem>> -> memref<128xi32, #tpu.memory_space<vmem>>
    %dma_wait3A_332 = arith.constant 0 : i32
    %dma_wait3A_333 = arith.constant 0 : i32
    %dma_wait3A_334 = tpu.memref_slice %arg7[%dma_wait3A_332, %dma_wait3A_333] : memref<1000000x16xf32, #tpu.memory_space<hbm>> -> memref<1000000x16xf32, #tpu.memory_space<hbm>>
    tpu.wait_indirect_dma semaphore(%arg18 : memref<!tpu.dma_semaphore, #tpu.memory_space<semaphore_mem>>) src(%dma_wait3A_334 : memref<1000000x16xf32, #tpu.memory_space<hbm>>) dst(%dma_wait3A_329 : memref<128x16xf32, #tpu.memory_space<vmem>>)
    %dma_wait3A_335 = arith.constant 256 : i32
    %dma_wait3A_336 = arith.constant 0 : i32
    %dma_wait3A_337 = tpu.memref_slice %arg17[%dma_wait3A_335, %dma_wait3A_336] : memref<2560x16xf32, #tpu.memory_space<vmem>> -> memref<128x16xf32, #tpu.memory_space<vmem>>
    %dma_wait3A_338 = arith.constant 256 : i32
    %dma_wait3A_339 = tpu.memref_slice %arg14[%dma_wait3A_338] : memref<2560xi32, #tpu.memory_space<vmem>> -> memref<128xi32, #tpu.memory_space<vmem>>
    %dma_wait3A_340 = arith.constant 0 : i32
    %dma_wait3A_341 = arith.constant 0 : i32
    %dma_wait3A_342 = tpu.memref_slice %arg7[%dma_wait3A_340, %dma_wait3A_341] : memref<1000000x16xf32, #tpu.memory_space<hbm>> -> memref<1000000x16xf32, #tpu.memory_space<hbm>>
    tpu.wait_indirect_dma semaphore(%arg18 : memref<!tpu.dma_semaphore, #tpu.memory_space<semaphore_mem>>) src(%dma_wait3A_342 : memref<1000000x16xf32, #tpu.memory_space<hbm>>) dst(%dma_wait3A_337 : memref<128x16xf32, #tpu.memory_space<vmem>>)
    %dma_wait3A_343 = arith.constant 384 : i32
    %dma_wait3A_344 = arith.constant 0 : i32
    %dma_wait3A_345 = tpu.memref_slice %arg17[%dma_wait3A_343, %dma_wait3A_344] : memref<2560x16xf32, #tpu.memory_space<vmem>> -> memref<128x16xf32, #tpu.memory_space<vmem>>
    %dma_wait3A_346 = arith.constant 384 : i32
    %dma_wait3A_347 = tpu.memref_slice %arg14[%dma_wait3A_346] : memref<2560xi32, #tpu.memory_space<vmem>> -> memref<128xi32, #tpu.memory_space<vmem>>
    %dma_wait3A_348 = arith.constant 0 : i32
    %dma_wait3A_349 = arith.constant 0 : i32
    %dma_wait3A_350 = tpu.memref_slice %arg7[%dma_wait3A_348, %dma_wait3A_349] : memref<1000000x16xf32, #tpu.memory_space<hbm>> -> memref<1000000x16xf32, #tpu.memory_space<hbm>>
    tpu.wait_indirect_dma semaphore(%arg18 : memref<!tpu.dma_semaphore, #tpu.memory_space<semaphore_mem>>) src(%dma_wait3A_350 : memref<1000000x16xf32, #tpu.memory_space<hbm>>) dst(%dma_wait3A_345 : memref<128x16xf32, #tpu.memory_space<vmem>>)
    %dma_wait3A_351 = arith.constant 512 : i32
    %dma_wait3A_352 = arith.constant 0 : i32
    %dma_wait3A_353 = tpu.memref_slice %arg17[%dma_wait3A_351, %dma_wait3A_352] : memref<2560x16xf32, #tpu.memory_space<vmem>> -> memref<128x16xf32, #tpu.memory_space<vmem>>
    %dma_wait3A_354 = arith.constant 512 : i32
    %dma_wait3A_355 = tpu.memref_slice %arg14[%dma_wait3A_354] : memref<2560xi32, #tpu.memory_space<vmem>> -> memref<128xi32, #tpu.memory_space<vmem>>
    %dma_wait3A_356 = arith.constant 0 : i32
    %dma_wait3A_357 = arith.constant 0 : i32
    %dma_wait3A_358 = tpu.memref_slice %arg7[%dma_wait3A_356, %dma_wait3A_357] : memref<1000000x16xf32, #tpu.memory_space<hbm>> -> memref<1000000x16xf32, #tpu.memory_space<hbm>>
    tpu.wait_indirect_dma semaphore(%arg18 : memref<!tpu.dma_semaphore, #tpu.memory_space<semaphore_mem>>) src(%dma_wait3A_358 : memref<1000000x16xf32, #tpu.memory_space<hbm>>) dst(%dma_wait3A_353 : memref<128x16xf32, #tpu.memory_space<vmem>>)
    %dma_wait3A_359 = arith.constant 640 : i32
    %dma_wait3A_360 = arith.constant 0 : i32
    %dma_wait3A_361 = tpu.memref_slice %arg17[%dma_wait3A_359, %dma_wait3A_360] : memref<2560x16xf32, #tpu.memory_space<vmem>> -> memref<128x16xf32, #tpu.memory_space<vmem>>
    %dma_wait3A_362 = arith.constant 640 : i32
    %dma_wait3A_363 = tpu.memref_slice %arg14[%dma_wait3A_362] : memref<2560xi32, #tpu.memory_space<vmem>> -> memref<128xi32, #tpu.memory_space<vmem>>
    %dma_wait3A_364 = arith.constant 0 : i32
    %dma_wait3A_365 = arith.constant 0 : i32
    %dma_wait3A_366 = tpu.memref_slice %arg7[%dma_wait3A_364, %dma_wait3A_365] : memref<1000000x16xf32, #tpu.memory_space<hbm>> -> memref<1000000x16xf32, #tpu.memory_space<hbm>>
    tpu.wait_indirect_dma semaphore(%arg18 : memref<!tpu.dma_semaphore, #tpu.memory_space<semaphore_mem>>) src(%dma_wait3A_366 : memref<1000000x16xf32, #tpu.memory_space<hbm>>) dst(%dma_wait3A_361 : memref<128x16xf32, #tpu.memory_space<vmem>>)
    %dma_wait3A_367 = arith.constant 768 : i32
    %dma_wait3A_368 = arith.constant 0 : i32
    %dma_wait3A_369 = tpu.memref_slice %arg17[%dma_wait3A_367, %dma_wait3A_368] : memref<2560x16xf32, #tpu.memory_space<vmem>> -> memref<128x16xf32, #tpu.memory_space<vmem>>
    %dma_wait3A_370 = arith.constant 768 : i32
    %dma_wait3A_371 = tpu.memref_slice %arg14[%dma_wait3A_370] : memref<2560xi32, #tpu.memory_space<vmem>> -> memref<128xi32, #tpu.memory_space<vmem>>
    %dma_wait3A_372 = arith.constant 0 : i32
    %dma_wait3A_373 = arith.constant 0 : i32
    %dma_wait3A_374 = tpu.memref_slice %arg7[%dma_wait3A_372, %dma_wait3A_373] : memref<1000000x16xf32, #tpu.memory_space<hbm>> -> memref<1000000x16xf32, #tpu.memory_space<hbm>>
    tpu.wait_indirect_dma semaphore(%arg18 : memref<!tpu.dma_semaphore, #tpu.memory_space<semaphore_mem>>) src(%dma_wait3A_374 : memref<1000000x16xf32, #tpu.memory_space<hbm>>) dst(%dma_wait3A_369 : memref<128x16xf32, #tpu.memory_space<vmem>>)
    %dma_wait3A_375 = arith.constant 896 : i32
    %dma_wait3A_376 = arith.constant 0 : i32
    %dma_wait3A_377 = tpu.memref_slice %arg17[%dma_wait3A_375, %dma_wait3A_376] : memref<2560x16xf32, #tpu.memory_space<vmem>> -> memref<128x16xf32, #tpu.memory_space<vmem>>
    %dma_wait3A_378 = arith.constant 896 : i32
    %dma_wait3A_379 = tpu.memref_slice %arg14[%dma_wait3A_378] : memref<2560xi32, #tpu.memory_space<vmem>> -> memref<128xi32, #tpu.memory_space<vmem>>
    %dma_wait3A_380 = arith.constant 0 : i32
    %dma_wait3A_381 = arith.constant 0 : i32
    %dma_wait3A_382 = tpu.memref_slice %arg7[%dma_wait3A_380, %dma_wait3A_381] : memref<1000000x16xf32, #tpu.memory_space<hbm>> -> memref<1000000x16xf32, #tpu.memory_space<hbm>>
    tpu.wait_indirect_dma semaphore(%arg18 : memref<!tpu.dma_semaphore, #tpu.memory_space<semaphore_mem>>) src(%dma_wait3A_382 : memref<1000000x16xf32, #tpu.memory_space<hbm>>) dst(%dma_wait3A_377 : memref<128x16xf32, #tpu.memory_space<vmem>>)
    %dma_start3A_383 = arith.constant 1024 : i32
    %dma_start3A_384 = arith.constant 0 : i32
    %dma_start3A_385 = tpu.memref_slice %arg17[%dma_start3A_383, %dma_start3A_384] : memref<2560x16xf32, #tpu.memory_space<vmem>> -> memref<128x16xf32, #tpu.memory_space<vmem>>
    %dma_start3A_386 = arith.constant 1024 : i32
    %dma_start3A_387 = tpu.memref_slice %arg14[%dma_start3A_386] : memref<2560xi32, #tpu.memory_space<vmem>> -> memref<128xi32, #tpu.memory_space<vmem>>
    %dma_start3A_388 = arith.constant 0 : i32
    %dma_start3A_389 = arith.constant 0 : i32
    %dma_start3A_390 = tpu.memref_slice %arg7[%dma_start3A_388, %dma_start3A_389] : memref<1000000x16xf32, #tpu.memory_space<hbm>> -> memref<1000000x16xf32, #tpu.memory_space<hbm>>
    tpu.enqueue_indirect_dma source(%dma_start3A_390 : memref<1000000x16xf32, #tpu.memory_space<hbm>>) target(%dma_start3A_385 : memref<128x16xf32, #tpu.memory_space<vmem>>) offsets(%dma_start3A_387 : memref<128xi32, #tpu.memory_space<vmem>>) semaphore(%arg18 : memref<!tpu.dma_semaphore, #tpu.memory_space<semaphore_mem>>)
    %dma_start3A_391 = arith.constant 1152 : i32
    %dma_start3A_392 = arith.constant 0 : i32
    %dma_start3A_393 = tpu.memref_slice %arg17[%dma_start3A_391, %dma_start3A_392] : memref<2560x16xf32, #tpu.memory_space<vmem>> -> memref<128x16xf32, #tpu.memory_space<vmem>>
    %dma_start3A_394 = arith.constant 1152 : i32
    %dma_start3A_395 = tpu.memref_slice %arg14[%dma_start3A_394] : memref<2560xi32, #tpu.memory_space<vmem>> -> memref<128xi32, #tpu.memory_space<vmem>>
    %dma_start3A_396 = arith.constant 0 : i32
    %dma_start3A_397 = arith.constant 0 : i32
    %dma_start3A_398 = tpu.memref_slice %arg7[%dma_start3A_396, %dma_start3A_397] : memref<1000000x16xf32, #tpu.memory_space<hbm>> -> memref<1000000x16xf32, #tpu.memory_space<hbm>>
    tpu.enqueue_indirect_dma source(%dma_start3A_398 : memref<1000000x16xf32, #tpu.memory_space<hbm>>) target(%dma_start3A_393 : memref<128x16xf32, #tpu.memory_space<vmem>>) offsets(%dma_start3A_395 : memref<128xi32, #tpu.memory_space<vmem>>) semaphore(%arg18 : memref<!tpu.dma_semaphore, #tpu.memory_space<semaphore_mem>>)
    %dma_start3A_399 = arith.constant 1280 : i32
    %dma_start3A_400 = arith.constant 0 : i32
    %dma_start3A_401 = tpu.memref_slice %arg17[%dma_start3A_399, %dma_start3A_400] : memref<2560x16xf32, #tpu.memory_space<vmem>> -> memref<128x16xf32, #tpu.memory_space<vmem>>
    %dma_start3A_402 = arith.constant 1280 : i32
    %dma_start3A_403 = tpu.memref_slice %arg14[%dma_start3A_402] : memref<2560xi32, #tpu.memory_space<vmem>> -> memref<128xi32, #tpu.memory_space<vmem>>
    %dma_start3A_404 = arith.constant 0 : i32
    %dma_start3A_405 = arith.constant 0 : i32
    %dma_start3A_406 = tpu.memref_slice %arg7[%dma_start3A_404, %dma_start3A_405] : memref<1000000x16xf32, #tpu.memory_space<hbm>> -> memref<1000000x16xf32, #tpu.memory_space<hbm>>
    tpu.enqueue_indirect_dma source(%dma_start3A_406 : memref<1000000x16xf32, #tpu.memory_space<hbm>>) target(%dma_start3A_401 : memref<128x16xf32, #tpu.memory_space<vmem>>) offsets(%dma_start3A_403 : memref<128xi32, #tpu.memory_space<vmem>>) semaphore(%arg18 : memref<!tpu.dma_semaphore, #tpu.memory_space<semaphore_mem>>)
    %dma_start3A_407 = arith.constant 1408 : i32
    %dma_start3A_408 = arith.constant 0 : i32
    %dma_start3A_409 = tpu.memref_slice %arg17[%dma_start3A_407, %dma_start3A_408] : memref<2560x16xf32, #tpu.memory_space<vmem>> -> memref<128x16xf32, #tpu.memory_space<vmem>>
    %dma_start3A_410 = arith.constant 1408 : i32
    %dma_start3A_411 = tpu.memref_slice %arg14[%dma_start3A_410] : memref<2560xi32, #tpu.memory_space<vmem>> -> memref<128xi32, #tpu.memory_space<vmem>>
    %dma_start3A_412 = arith.constant 0 : i32
    %dma_start3A_413 = arith.constant 0 : i32
    %dma_start3A_414 = tpu.memref_slice %arg7[%dma_start3A_412, %dma_start3A_413] : memref<1000000x16xf32, #tpu.memory_space<hbm>> -> memref<1000000x16xf32, #tpu.memory_space<hbm>>
    tpu.enqueue_indirect_dma source(%dma_start3A_414 : memref<1000000x16xf32, #tpu.memory_space<hbm>>) target(%dma_start3A_409 : memref<128x16xf32, #tpu.memory_space<vmem>>) offsets(%dma_start3A_411 : memref<128xi32, #tpu.memory_space<vmem>>) semaphore(%arg18 : memref<!tpu.dma_semaphore, #tpu.memory_space<semaphore_mem>>)
    %dma_start3A_415 = arith.constant 1536 : i32
    %dma_start3A_416 = arith.constant 0 : i32
    %dma_start3A_417 = tpu.memref_slice %arg17[%dma_start3A_415, %dma_start3A_416] : memref<2560x16xf32, #tpu.memory_space<vmem>> -> memref<128x16xf32, #tpu.memory_space<vmem>>
    %dma_start3A_418 = arith.constant 1536 : i32
    %dma_start3A_419 = tpu.memref_slice %arg14[%dma_start3A_418] : memref<2560xi32, #tpu.memory_space<vmem>> -> memref<128xi32, #tpu.memory_space<vmem>>
    %dma_start3A_420 = arith.constant 0 : i32
    %dma_start3A_421 = arith.constant 0 : i32
    %dma_start3A_422 = tpu.memref_slice %arg7[%dma_start3A_420, %dma_start3A_421] : memref<1000000x16xf32, #tpu.memory_space<hbm>> -> memref<1000000x16xf32, #tpu.memory_space<hbm>>
    tpu.enqueue_indirect_dma source(%dma_start3A_422 : memref<1000000x16xf32, #tpu.memory_space<hbm>>) target(%dma_start3A_417 : memref<128x16xf32, #tpu.memory_space<vmem>>) offsets(%dma_start3A_419 : memref<128xi32, #tpu.memory_space<vmem>>) semaphore(%arg18 : memref<!tpu.dma_semaphore, #tpu.memory_space<semaphore_mem>>)
    %dma_start3A_423 = arith.constant 1664 : i32
    %dma_start3A_424 = arith.constant 0 : i32
    %dma_start3A_425 = tpu.memref_slice %arg17[%dma_start3A_423, %dma_start3A_424] : memref<2560x16xf32, #tpu.memory_space<vmem>> -> memref<128x16xf32, #tpu.memory_space<vmem>>
    %dma_start3A_426 = arith.constant 1664 : i32
    %dma_start3A_427 = tpu.memref_slice %arg14[%dma_start3A_426] : memref<2560xi32, #tpu.memory_space<vmem>> -> memref<128xi32, #tpu.memory_space<vmem>>
    %dma_start3A_428 = arith.constant 0 : i32
    %dma_start3A_429 = arith.constant 0 : i32
    %dma_start3A_430 = tpu.memref_slice %arg7[%dma_start3A_428, %dma_start3A_429] : memref<1000000x16xf32, #tpu.memory_space<hbm>> -> memref<1000000x16xf32, #tpu.memory_space<hbm>>
    tpu.enqueue_indirect_dma source(%dma_start3A_430 : memref<1000000x16xf32, #tpu.memory_space<hbm>>) target(%dma_start3A_425 : memref<128x16xf32, #tpu.memory_space<vmem>>) offsets(%dma_start3A_427 : memref<128xi32, #tpu.memory_space<vmem>>) semaphore(%arg18 : memref<!tpu.dma_semaphore, #tpu.memory_space<semaphore_mem>>)
    %dma_start3A_431 = arith.constant 1792 : i32
    %dma_start3A_432 = arith.constant 0 : i32
    %dma_start3A_433 = tpu.memref_slice %arg17[%dma_start3A_431, %dma_start3A_432] : memref<2560x16xf32, #tpu.memory_space<vmem>> -> memref<128x16xf32, #tpu.memory_space<vmem>>
    %dma_start3A_434 = arith.constant 1792 : i32
    %dma_start3A_435 = tpu.memref_slice %arg14[%dma_start3A_434] : memref<2560xi32, #tpu.memory_space<vmem>> -> memref<128xi32, #tpu.memory_space<vmem>>
    %dma_start3A_436 = arith.constant 0 : i32
    %dma_start3A_437 = arith.constant 0 : i32
    %dma_start3A_438 = tpu.memref_slice %arg7[%dma_start3A_436, %dma_start3A_437] : memref<1000000x16xf32, #tpu.memory_space<hbm>> -> memref<1000000x16xf32, #tpu.memory_space<hbm>>
    tpu.enqueue_indirect_dma source(%dma_start3A_438 : memref<1000000x16xf32, #tpu.memory_space<hbm>>) target(%dma_start3A_433 : memref<128x16xf32, #tpu.memory_space<vmem>>) offsets(%dma_start3A_435 : memref<128xi32, #tpu.memory_space<vmem>>) semaphore(%arg18 : memref<!tpu.dma_semaphore, #tpu.memory_space<semaphore_mem>>)
    %dma_start3A_439 = arith.constant 1920 : i32
    %dma_start3A_440 = arith.constant 0 : i32
    %dma_start3A_441 = tpu.memref_slice %arg17[%dma_start3A_439, %dma_start3A_440] : memref<2560x16xf32, #tpu.memory_space<vmem>> -> memref<128x16xf32, #tpu.memory_space<vmem>>
    %dma_start3A_442 = arith.constant 1920 : i32
    %dma_start3A_443 = tpu.memref_slice %arg14[%dma_start3A_442] : memref<2560xi32, #tpu.memory_space<vmem>> -> memref<128xi32, #tpu.memory_space<vmem>>
    %dma_start3A_444 = arith.constant 0 : i32
    %dma_start3A_445 = arith.constant 0 : i32
    %dma_start3A_446 = tpu.memref_slice %arg7[%dma_start3A_444, %dma_start3A_445] : memref<1000000x16xf32, #tpu.memory_space<hbm>> -> memref<1000000x16xf32, #tpu.memory_space<hbm>>
    tpu.enqueue_indirect_dma source(%dma_start3A_446 : memref<1000000x16xf32, #tpu.memory_space<hbm>>) target(%dma_start3A_441 : memref<128x16xf32, #tpu.memory_space<vmem>>) offsets(%dma_start3A_443 : memref<128xi32, #tpu.memory_space<vmem>>) semaphore(%arg18 : memref<!tpu.dma_semaphore, #tpu.memory_space<semaphore_mem>>)
    %dma_wait3A_447 = arith.constant 1024 : i32
    %dma_wait3A_448 = arith.constant 0 : i32
    %dma_wait3A_449 = tpu.memref_slice %arg17[%dma_wait3A_447, %dma_wait3A_448] : memref<2560x16xf32, #tpu.memory_space<vmem>> -> memref<128x16xf32, #tpu.memory_space<vmem>>
    %dma_wait3A_450 = arith.constant 1024 : i32
    %dma_wait3A_451 = tpu.memref_slice %arg14[%dma_wait3A_450] : memref<2560xi32, #tpu.memory_space<vmem>> -> memref<128xi32, #tpu.memory_space<vmem>>
    %dma_wait3A_452 = arith.constant 0 : i32
    %dma_wait3A_453 = arith.constant 0 : i32
    %dma_wait3A_454 = tpu.memref_slice %arg7[%dma_wait3A_452, %dma_wait3A_453] : memref<1000000x16xf32, #tpu.memory_space<hbm>> -> memref<1000000x16xf32, #tpu.memory_space<hbm>>
    tpu.wait_indirect_dma semaphore(%arg18 : memref<!tpu.dma_semaphore, #tpu.memory_space<semaphore_mem>>) src(%dma_wait3A_454 : memref<1000000x16xf32, #tpu.memory_space<hbm>>) dst(%dma_wait3A_449 : memref<128x16xf32, #tpu.memory_space<vmem>>)
    %dma_wait3A_455 = arith.constant 1152 : i32
    %dma_wait3A_456 = arith.constant 0 : i32
    %dma_wait3A_457 = tpu.memref_slice %arg17[%dma_wait3A_455, %dma_wait3A_456] : memref<2560x16xf32, #tpu.memory_space<vmem>> -> memref<128x16xf32, #tpu.memory_space<vmem>>
    %dma_wait3A_458 = arith.constant 1152 : i32
    %dma_wait3A_459 = tpu.memref_slice %arg14[%dma_wait3A_458] : memref<2560xi32, #tpu.memory_space<vmem>> -> memref<128xi32, #tpu.memory_space<vmem>>
    %dma_wait3A_460 = arith.constant 0 : i32
    %dma_wait3A_461 = arith.constant 0 : i32
    %dma_wait3A_462 = tpu.memref_slice %arg7[%dma_wait3A_460, %dma_wait3A_461] : memref<1000000x16xf32, #tpu.memory_space<hbm>> -> memref<1000000x16xf32, #tpu.memory_space<hbm>>
    tpu.wait_indirect_dma semaphore(%arg18 : memref<!tpu.dma_semaphore, #tpu.memory_space<semaphore_mem>>) src(%dma_wait3A_462 : memref<1000000x16xf32, #tpu.memory_space<hbm>>) dst(%dma_wait3A_457 : memref<128x16xf32, #tpu.memory_space<vmem>>)
    %dma_wait3A_463 = arith.constant 1280 : i32
    %dma_wait3A_464 = arith.constant 0 : i32
    %dma_wait3A_465 = tpu.memref_slice %arg17[%dma_wait3A_463, %dma_wait3A_464] : memref<2560x16xf32, #tpu.memory_space<vmem>> -> memref<128x16xf32, #tpu.memory_space<vmem>>
    %dma_wait3A_466 = arith.constant 1280 : i32
    %dma_wait3A_467 = tpu.memref_slice %arg14[%dma_wait3A_466] : memref<2560xi32, #tpu.memory_space<vmem>> -> memref<128xi32, #tpu.memory_space<vmem>>
    %dma_wait3A_468 = arith.constant 0 : i32
    %dma_wait3A_469 = arith.constant 0 : i32
    %dma_wait3A_470 = tpu.memref_slice %arg7[%dma_wait3A_468, %dma_wait3A_469] : memref<1000000x16xf32, #tpu.memory_space<hbm>> -> memref<1000000x16xf32, #tpu.memory_space<hbm>>
    tpu.wait_indirect_dma semaphore(%arg18 : memref<!tpu.dma_semaphore, #tpu.memory_space<semaphore_mem>>) src(%dma_wait3A_470 : memref<1000000x16xf32, #tpu.memory_space<hbm>>) dst(%dma_wait3A_465 : memref<128x16xf32, #tpu.memory_space<vmem>>)
    %dma_wait3A_471 = arith.constant 1408 : i32
    %dma_wait3A_472 = arith.constant 0 : i32
    %dma_wait3A_473 = tpu.memref_slice %arg17[%dma_wait3A_471, %dma_wait3A_472] : memref<2560x16xf32, #tpu.memory_space<vmem>> -> memref<128x16xf32, #tpu.memory_space<vmem>>
    %dma_wait3A_474 = arith.constant 1408 : i32
    %dma_wait3A_475 = tpu.memref_slice %arg14[%dma_wait3A_474] : memref<2560xi32, #tpu.memory_space<vmem>> -> memref<128xi32, #tpu.memory_space<vmem>>
    %dma_wait3A_476 = arith.constant 0 : i32
    %dma_wait3A_477 = arith.constant 0 : i32
    %dma_wait3A_478 = tpu.memref_slice %arg7[%dma_wait3A_476, %dma_wait3A_477] : memref<1000000x16xf32, #tpu.memory_space<hbm>> -> memref<1000000x16xf32, #tpu.memory_space<hbm>>
    tpu.wait_indirect_dma semaphore(%arg18 : memref<!tpu.dma_semaphore, #tpu.memory_space<semaphore_mem>>) src(%dma_wait3A_478 : memref<1000000x16xf32, #tpu.memory_space<hbm>>) dst(%dma_wait3A_473 : memref<128x16xf32, #tpu.memory_space<vmem>>)
    %dma_wait3A_479 = arith.constant 1536 : i32
    %dma_wait3A_480 = arith.constant 0 : i32
    %dma_wait3A_481 = tpu.memref_slice %arg17[%dma_wait3A_479, %dma_wait3A_480] : memref<2560x16xf32, #tpu.memory_space<vmem>> -> memref<128x16xf32, #tpu.memory_space<vmem>>
    %dma_wait3A_482 = arith.constant 1536 : i32
    %dma_wait3A_483 = tpu.memref_slice %arg14[%dma_wait3A_482] : memref<2560xi32, #tpu.memory_space<vmem>> -> memref<128xi32, #tpu.memory_space<vmem>>
    %dma_wait3A_484 = arith.constant 0 : i32
    %dma_wait3A_485 = arith.constant 0 : i32
    %dma_wait3A_486 = tpu.memref_slice %arg7[%dma_wait3A_484, %dma_wait3A_485] : memref<1000000x16xf32, #tpu.memory_space<hbm>> -> memref<1000000x16xf32, #tpu.memory_space<hbm>>
    tpu.wait_indirect_dma semaphore(%arg18 : memref<!tpu.dma_semaphore, #tpu.memory_space<semaphore_mem>>) src(%dma_wait3A_486 : memref<1000000x16xf32, #tpu.memory_space<hbm>>) dst(%dma_wait3A_481 : memref<128x16xf32, #tpu.memory_space<vmem>>)
    %dma_wait3A_487 = arith.constant 1664 : i32
    %dma_wait3A_488 = arith.constant 0 : i32
    %dma_wait3A_489 = tpu.memref_slice %arg17[%dma_wait3A_487, %dma_wait3A_488] : memref<2560x16xf32, #tpu.memory_space<vmem>> -> memref<128x16xf32, #tpu.memory_space<vmem>>
    %dma_wait3A_490 = arith.constant 1664 : i32
    %dma_wait3A_491 = tpu.memref_slice %arg14[%dma_wait3A_490] : memref<2560xi32, #tpu.memory_space<vmem>> -> memref<128xi32, #tpu.memory_space<vmem>>
    %dma_wait3A_492 = arith.constant 0 : i32
    %dma_wait3A_493 = arith.constant 0 : i32
    %dma_wait3A_494 = tpu.memref_slice %arg7[%dma_wait3A_492, %dma_wait3A_493] : memref<1000000x16xf32, #tpu.memory_space<hbm>> -> memref<1000000x16xf32, #tpu.memory_space<hbm>>
    tpu.wait_indirect_dma semaphore(%arg18 : memref<!tpu.dma_semaphore, #tpu.memory_space<semaphore_mem>>) src(%dma_wait3A_494 : memref<1000000x16xf32, #tpu.memory_space<hbm>>) dst(%dma_wait3A_489 : memref<128x16xf32, #tpu.memory_space<vmem>>)
    %dma_wait3A_495 = arith.constant 1792 : i32
    %dma_wait3A_496 = arith.constant 0 : i32
    %dma_wait3A_497 = tpu.memref_slice %arg17[%dma_wait3A_495, %dma_wait3A_496] : memref<2560x16xf32, #tpu.memory_space<vmem>> -> memref<128x16xf32, #tpu.memory_space<vmem>>
    %dma_wait3A_498 = arith.constant 1792 : i32
    %dma_wait3A_499 = tpu.memref_slice %arg14[%dma_wait3A_498] : memref<2560xi32, #tpu.memory_space<vmem>> -> memref<128xi32, #tpu.memory_space<vmem>>
    %dma_wait3A_500 = arith.constant 0 : i32
    %dma_wait3A_501 = arith.constant 0 : i32
    %dma_wait3A_502 = tpu.memref_slice %arg7[%dma_wait3A_500, %dma_wait3A_501] : memref<1000000x16xf32, #tpu.memory_space<hbm>> -> memref<1000000x16xf32, #tpu.memory_space<hbm>>
    tpu.wait_indirect_dma semaphore(%arg18 : memref<!tpu.dma_semaphore, #tpu.memory_space<semaphore_mem>>) src(%dma_wait3A_502 : memref<1000000x16xf32, #tpu.memory_space<hbm>>) dst(%dma_wait3A_497 : memref<128x16xf32, #tpu.memory_space<vmem>>)
    %dma_wait3A_503 = arith.constant 1920 : i32
    %dma_wait3A_504 = arith.constant 0 : i32
    %dma_wait3A_505 = tpu.memref_slice %arg17[%dma_wait3A_503, %dma_wait3A_504] : memref<2560x16xf32, #tpu.memory_space<vmem>> -> memref<128x16xf32, #tpu.memory_space<vmem>>
    %dma_wait3A_506 = arith.constant 1920 : i32
    %dma_wait3A_507 = tpu.memref_slice %arg14[%dma_wait3A_506] : memref<2560xi32, #tpu.memory_space<vmem>> -> memref<128xi32, #tpu.memory_space<vmem>>
    %dma_wait3A_508 = arith.constant 0 : i32
    %dma_wait3A_509 = arith.constant 0 : i32
    %dma_wait3A_510 = tpu.memref_slice %arg7[%dma_wait3A_508, %dma_wait3A_509] : memref<1000000x16xf32, #tpu.memory_space<hbm>> -> memref<1000000x16xf32, #tpu.memory_space<hbm>>
    tpu.wait_indirect_dma semaphore(%arg18 : memref<!tpu.dma_semaphore, #tpu.memory_space<semaphore_mem>>) src(%dma_wait3A_510 : memref<1000000x16xf32, #tpu.memory_space<hbm>>) dst(%dma_wait3A_505 : memref<128x16xf32, #tpu.memory_space<vmem>>)
    %dma_start3A_511 = arith.constant 2048 : i32
    %dma_start3A_512 = arith.constant 0 : i32
    %dma_start3A_513 = tpu.memref_slice %arg17[%dma_start3A_511, %dma_start3A_512] : memref<2560x16xf32, #tpu.memory_space<vmem>> -> memref<128x16xf32, #tpu.memory_space<vmem>>
    %dma_start3A_514 = arith.constant 2048 : i32
    %dma_start3A_515 = tpu.memref_slice %arg14[%dma_start3A_514] : memref<2560xi32, #tpu.memory_space<vmem>> -> memref<128xi32, #tpu.memory_space<vmem>>
    %dma_start3A_516 = arith.constant 0 : i32
    %dma_start3A_517 = arith.constant 0 : i32
    %dma_start3A_518 = tpu.memref_slice %arg7[%dma_start3A_516, %dma_start3A_517] : memref<1000000x16xf32, #tpu.memory_space<hbm>> -> memref<1000000x16xf32, #tpu.memory_space<hbm>>
    tpu.enqueue_indirect_dma source(%dma_start3A_518 : memref<1000000x16xf32, #tpu.memory_space<hbm>>) target(%dma_start3A_513 : memref<128x16xf32, #tpu.memory_space<vmem>>) offsets(%dma_start3A_515 : memref<128xi32, #tpu.memory_space<vmem>>) semaphore(%arg18 : memref<!tpu.dma_semaphore, #tpu.memory_space<semaphore_mem>>)
    %dma_start3A_519 = arith.constant 2176 : i32
    %dma_start3A_520 = arith.constant 0 : i32
    %dma_start3A_521 = tpu.memref_slice %arg17[%dma_start3A_519, %dma_start3A_520] : memref<2560x16xf32, #tpu.memory_space<vmem>> -> memref<128x16xf32, #tpu.memory_space<vmem>>
    %dma_start3A_522 = arith.constant 2176 : i32
    %dma_start3A_523 = tpu.memref_slice %arg14[%dma_start3A_522] : memref<2560xi32, #tpu.memory_space<vmem>> -> memref<128xi32, #tpu.memory_space<vmem>>
    %dma_start3A_524 = arith.constant 0 : i32
    %dma_start3A_525 = arith.constant 0 : i32
    %dma_start3A_526 = tpu.memref_slice %arg7[%dma_start3A_524, %dma_start3A_525] : memref<1000000x16xf32, #tpu.memory_space<hbm>> -> memref<1000000x16xf32, #tpu.memory_space<hbm>>
    tpu.enqueue_indirect_dma source(%dma_start3A_526 : memref<1000000x16xf32, #tpu.memory_space<hbm>>) target(%dma_start3A_521 : memref<128x16xf32, #tpu.memory_space<vmem>>) offsets(%dma_start3A_523 : memref<128xi32, #tpu.memory_space<vmem>>) semaphore(%arg18 : memref<!tpu.dma_semaphore, #tpu.memory_space<semaphore_mem>>)
    %dma_start3A_527 = arith.constant 2304 : i32
    %dma_start3A_528 = arith.constant 0 : i32
    %dma_start3A_529 = tpu.memref_slice %arg17[%dma_start3A_527, %dma_start3A_528] : memref<2560x16xf32, #tpu.memory_space<vmem>> -> memref<128x16xf32, #tpu.memory_space<vmem>>
    %dma_start3A_530 = arith.constant 2304 : i32
    %dma_start3A_531 = tpu.memref_slice %arg14[%dma_start3A_530] : memref<2560xi32, #tpu.memory_space<vmem>> -> memref<128xi32, #tpu.memory_space<vmem>>
    %dma_start3A_532 = arith.constant 0 : i32
    %dma_start3A_533 = arith.constant 0 : i32
    %dma_start3A_534 = tpu.memref_slice %arg7[%dma_start3A_532, %dma_start3A_533] : memref<1000000x16xf32, #tpu.memory_space<hbm>> -> memref<1000000x16xf32, #tpu.memory_space<hbm>>
    tpu.enqueue_indirect_dma source(%dma_start3A_534 : memref<1000000x16xf32, #tpu.memory_space<hbm>>) target(%dma_start3A_529 : memref<128x16xf32, #tpu.memory_space<vmem>>) offsets(%dma_start3A_531 : memref<128xi32, #tpu.memory_space<vmem>>) semaphore(%arg18 : memref<!tpu.dma_semaphore, #tpu.memory_space<semaphore_mem>>)
    %dma_start3A_535 = arith.constant 2432 : i32
    %dma_start3A_536 = arith.constant 0 : i32
    %dma_start3A_537 = tpu.memref_slice %arg17[%dma_start3A_535, %dma_start3A_536] : memref<2560x16xf32, #tpu.memory_space<vmem>> -> memref<128x16xf32, #tpu.memory_space<vmem>>
    %dma_start3A_538 = arith.constant 2432 : i32
    %dma_start3A_539 = tpu.memref_slice %arg14[%dma_start3A_538] : memref<2560xi32, #tpu.memory_space<vmem>> -> memref<128xi32, #tpu.memory_space<vmem>>
    %dma_start3A_540 = arith.constant 0 : i32
    %dma_start3A_541 = arith.constant 0 : i32
    %dma_start3A_542 = tpu.memref_slice %arg7[%dma_start3A_540, %dma_start3A_541] : memref<1000000x16xf32, #tpu.memory_space<hbm>> -> memref<1000000x16xf32, #tpu.memory_space<hbm>>
    tpu.enqueue_indirect_dma source(%dma_start3A_542 : memref<1000000x16xf32, #tpu.memory_space<hbm>>) target(%dma_start3A_537 : memref<128x16xf32, #tpu.memory_space<vmem>>) offsets(%dma_start3A_539 : memref<128xi32, #tpu.memory_space<vmem>>) semaphore(%arg18 : memref<!tpu.dma_semaphore, #tpu.memory_space<semaphore_mem>>)
    %dma_wait3A_543 = arith.constant 2048 : i32
    %dma_wait3A_544 = arith.constant 0 : i32
    %dma_wait3A_545 = tpu.memref_slice %arg17[%dma_wait3A_543, %dma_wait3A_544] : memref<2560x16xf32, #tpu.memory_space<vmem>> -> memref<128x16xf32, #tpu.memory_space<vmem>>
    %dma_wait3A_546 = arith.constant 2048 : i32
    %dma_wait3A_547 = tpu.memref_slice %arg14[%dma_wait3A_546] : memref<2560xi32, #tpu.memory_space<vmem>> -> memref<128xi32, #tpu.memory_space<vmem>>
    %dma_wait3A_548 = arith.constant 0 : i32
    %dma_wait3A_549 = arith.constant 0 : i32
    %dma_wait3A_550 = tpu.memref_slice %arg7[%dma_wait3A_548, %dma_wait3A_549] : memref<1000000x16xf32, #tpu.memory_space<hbm>> -> memref<1000000x16xf32, #tpu.memory_space<hbm>>
    tpu.wait_indirect_dma semaphore(%arg18 : memref<!tpu.dma_semaphore, #tpu.memory_space<semaphore_mem>>) src(%dma_wait3A_550 : memref<1000000x16xf32, #tpu.memory_space<hbm>>) dst(%dma_wait3A_545 : memref<128x16xf32, #tpu.memory_space<vmem>>)
    %dma_wait3A_551 = arith.constant 2176 : i32
    %dma_wait3A_552 = arith.constant 0 : i32
    %dma_wait3A_553 = tpu.memref_slice %arg17[%dma_wait3A_551, %dma_wait3A_552] : memref<2560x16xf32, #tpu.memory_space<vmem>> -> memref<128x16xf32, #tpu.memory_space<vmem>>
    %dma_wait3A_554 = arith.constant 2176 : i32
    %dma_wait3A_555 = tpu.memref_slice %arg14[%dma_wait3A_554] : memref<2560xi32, #tpu.memory_space<vmem>> -> memref<128xi32, #tpu.memory_space<vmem>>
    %dma_wait3A_556 = arith.constant 0 : i32
    %dma_wait3A_557 = arith.constant 0 : i32
    %dma_wait3A_558 = tpu.memref_slice %arg7[%dma_wait3A_556, %dma_wait3A_557] : memref<1000000x16xf32, #tpu.memory_space<hbm>> -> memref<1000000x16xf32, #tpu.memory_space<hbm>>
    tpu.wait_indirect_dma semaphore(%arg18 : memref<!tpu.dma_semaphore, #tpu.memory_space<semaphore_mem>>) src(%dma_wait3A_558 : memref<1000000x16xf32, #tpu.memory_space<hbm>>) dst(%dma_wait3A_553 : memref<128x16xf32, #tpu.memory_space<vmem>>)
    %dma_wait3A_559 = arith.constant 2304 : i32
    %dma_wait3A_560 = arith.constant 0 : i32
    %dma_wait3A_561 = tpu.memref_slice %arg17[%dma_wait3A_559, %dma_wait3A_560] : memref<2560x16xf32, #tpu.memory_space<vmem>> -> memref<128x16xf32, #tpu.memory_space<vmem>>
    %dma_wait3A_562 = arith.constant 2304 : i32
    %dma_wait3A_563 = tpu.memref_slice %arg14[%dma_wait3A_562] : memref<2560xi32, #tpu.memory_space<vmem>> -> memref<128xi32, #tpu.memory_space<vmem>>
    %dma_wait3A_564 = arith.constant 0 : i32
    %dma_wait3A_565 = arith.constant 0 : i32
    %dma_wait3A_566 = tpu.memref_slice %arg7[%dma_wait3A_564, %dma_wait3A_565] : memref<1000000x16xf32, #tpu.memory_space<hbm>> -> memref<1000000x16xf32, #tpu.memory_space<hbm>>
    tpu.wait_indirect_dma semaphore(%arg18 : memref<!tpu.dma_semaphore, #tpu.memory_space<semaphore_mem>>) src(%dma_wait3A_566 : memref<1000000x16xf32, #tpu.memory_space<hbm>>) dst(%dma_wait3A_561 : memref<128x16xf32, #tpu.memory_space<vmem>>)
    %dma_wait3A_567 = arith.constant 2432 : i32
    %dma_wait3A_568 = arith.constant 0 : i32
    %dma_wait3A_569 = tpu.memref_slice %arg17[%dma_wait3A_567, %dma_wait3A_568] : memref<2560x16xf32, #tpu.memory_space<vmem>> -> memref<128x16xf32, #tpu.memory_space<vmem>>
    %dma_wait3A_570 = arith.constant 2432 : i32
    %dma_wait3A_571 = tpu.memref_slice %arg14[%dma_wait3A_570] : memref<2560xi32, #tpu.memory_space<vmem>> -> memref<128xi32, #tpu.memory_space<vmem>>
    %dma_wait3A_572 = arith.constant 0 : i32
    %dma_wait3A_573 = arith.constant 0 : i32
    %dma_wait3A_574 = tpu.memref_slice %arg7[%dma_wait3A_572, %dma_wait3A_573] : memref<1000000x16xf32, #tpu.memory_space<hbm>> -> memref<1000000x16xf32, #tpu.memory_space<hbm>>
    tpu.wait_indirect_dma semaphore(%arg18 : memref<!tpu.dma_semaphore, #tpu.memory_space<semaphore_mem>>) src(%dma_wait3A_574 : memref<1000000x16xf32, #tpu.memory_space<hbm>>) dst(%dma_wait3A_569 : memref<128x16xf32, #tpu.memory_space<vmem>>)
    "tpu.region"() ({
      %run_scoped3A = tpu.sem_alloc : memref<!tpu.dma_semaphore, #tpu.memory_space<semaphore_mem>>
      %dma_start3A_575 = arith.constant 0 : i32
      %dma_start3A_576 = tpu.memref_slice %arg8[%mul3A_4, %dma_start3A_575] : memref<81920x16xf32, #tpu.memory_space<hbm>> -> memref<2560x16xf32, #tpu.memory_space<hbm>>
      %dma_start3A_577 = arith.constant 0 : i32
      %dma_start3A_578 = tpu.memref_slice %arg8[%mul3A_4, %dma_start3A_577] : memref<81920x16xf32, #tpu.memory_space<hbm>> -> memref<2560x16xf32, #tpu.memory_space<hbm>>
      tpu.enqueue_dma source(%arg17 : memref<2560x16xf32, #tpu.memory_space<vmem>>) target(%dma_start3A_578 : memref<2560x16xf32, #tpu.memory_space<hbm>>) target_semaphore(%run_scoped3A : memref<!tpu.dma_semaphore, #tpu.memory_space<semaphore_mem>>)
      %dma_wait3A_579 = arith.constant 0 : i32
      %dma_wait3A_580 = tpu.memref_slice %arg8[%mul3A_4, %dma_wait3A_579] : memref<81920x16xf32, #tpu.memory_space<hbm>> -> memref<2560x16xf32, #tpu.memory_space<hbm>>
      %dma_wait3A_581 = arith.constant 0 : i32
      %dma_wait3A_582 = tpu.memref_slice %arg8[%mul3A_4, %dma_wait3A_581] : memref<81920x16xf32, #tpu.memory_space<hbm>> -> memref<2560x16xf32, #tpu.memory_space<hbm>>
      tpu.wait_dma2 semaphore(%run_scoped3A : memref<!tpu.dma_semaphore, #tpu.memory_space<semaphore_mem>>) src(%arg17 : memref<2560x16xf32, #tpu.memory_space<vmem>>) dst(%dma_wait3A_582 : memref<2560x16xf32, #tpu.memory_space<hbm>>)
      tpu.yield
    }) : () -> ()
    "tpu.region"() ({
      %run_scoped3A = tpu.sem_alloc : memref<!tpu.dma_semaphore, #tpu.memory_space<semaphore_mem>>
      %dma_start3A_575 = arith.constant 0 : i32
      %dma_start3A_576 = tpu.memref_slice %arg9[%mul3A_2, %dma_start3A_575] : memref<4096x16xf32, #tpu.memory_space<hbm>> -> memref<128x16xf32, #tpu.memory_space<hbm>>
      %dma_start3A_577 = arith.constant 0 : i32
      %dma_start3A_578 = tpu.memref_slice %arg9[%mul3A_2, %dma_start3A_577] : memref<4096x16xf32, #tpu.memory_space<hbm>> -> memref<128x16xf32, #tpu.memory_space<hbm>>
      tpu.enqueue_dma source(%arg15 : memref<128x16xf32, #tpu.memory_space<vmem>>) target(%dma_start3A_578 : memref<128x16xf32, #tpu.memory_space<hbm>>) target_semaphore(%run_scoped3A : memref<!tpu.dma_semaphore, #tpu.memory_space<semaphore_mem>>)
      %dma_wait3A_579 = arith.constant 0 : i32
      %dma_wait3A_580 = tpu.memref_slice %arg9[%mul3A_2, %dma_wait3A_579] : memref<4096x16xf32, #tpu.memory_space<hbm>> -> memref<128x16xf32, #tpu.memory_space<hbm>>
      %dma_wait3A_581 = arith.constant 0 : i32
      %dma_wait3A_582 = tpu.memref_slice %arg9[%mul3A_2, %dma_wait3A_581] : memref<4096x16xf32, #tpu.memory_space<hbm>> -> memref<128x16xf32, #tpu.memory_space<hbm>>
      tpu.wait_dma2 semaphore(%run_scoped3A : memref<!tpu.dma_semaphore, #tpu.memory_space<semaphore_mem>>) src(%arg15 : memref<128x16xf32, #tpu.memory_space<vmem>>) dst(%dma_wait3A_582 : memref<128x16xf32, #tpu.memory_space<hbm>>)
      tpu.yield
    }) : () -> ()
    "tpu.region"() ({
      %run_scoped3A = tpu.sem_alloc : memref<!tpu.dma_semaphore, #tpu.memory_space<semaphore_mem>>
      %dma_start3A_575 = arith.constant 0 : i32
      %dma_start3A_576 = tpu.memref_slice %arg10[%mul3A_2, %dma_start3A_575] : memref<4096x16xf32, #tpu.memory_space<hbm>> -> memref<128x16xf32, #tpu.memory_space<hbm>>
      %dma_start3A_577 = arith.constant 0 : i32
      %dma_start3A_578 = tpu.memref_slice %arg10[%mul3A_2, %dma_start3A_577] : memref<4096x16xf32, #tpu.memory_space<hbm>> -> memref<128x16xf32, #tpu.memory_space<hbm>>
      tpu.enqueue_dma source(%arg16 : memref<128x16xf32, #tpu.memory_space<vmem>>) target(%dma_start3A_578 : memref<128x16xf32, #tpu.memory_space<hbm>>) target_semaphore(%run_scoped3A : memref<!tpu.dma_semaphore, #tpu.memory_space<semaphore_mem>>)
      %dma_wait3A_579 = arith.constant 0 : i32
      %dma_wait3A_580 = tpu.memref_slice %arg10[%mul3A_2, %dma_wait3A_579] : memref<4096x16xf32, #tpu.memory_space<hbm>> -> memref<128x16xf32, #tpu.memory_space<hbm>>
      %dma_wait3A_581 = arith.constant 0 : i32
      %dma_wait3A_582 = tpu.memref_slice %arg10[%mul3A_2, %dma_wait3A_581] : memref<4096x16xf32, #tpu.memory_space<hbm>> -> memref<128x16xf32, #tpu.memory_space<hbm>>
      tpu.wait_dma2 semaphore(%run_scoped3A : memref<!tpu.dma_semaphore, #tpu.memory_space<semaphore_mem>>) src(%arg16 : memref<128x16xf32, #tpu.memory_space<vmem>>) dst(%dma_wait3A_582 : memref<128x16xf32, #tpu.memory_space<hbm>>)
      tpu.yield
    }) : () -> ()
    return
  }
}

module attributes {stable_mosaic.version = 14 : i64} {
  func.func @body(%arg0: memref<4096x320xf32, #tpu.memory_space<vmem>>, %arg1: memref<4096x16xf32, #tpu.memory_space<vmem>>, %arg2: memref<4096x16xf32, #tpu.memory_space<vmem>>, %arg3: memref<320x320xf32, #tpu.memory_space<vmem>>, %arg4: memref<16x320xf32, #tpu.memory_space<vmem>>, %arg5: memref<1x320xf32, #tpu.memory_space<vmem>>, %arg6: memref<320x16xf32, #tpu.memory_space<vmem>>, %arg7: memref<16x16xf32, #tpu.memory_space<vmem>>, %arg8: memref<16x16xf32, #tpu.memory_space<vmem>>, %arg9: memref<16x16xf32, #tpu.memory_space<vmem>>, %arg10: memref<1x16xf32, #tpu.memory_space<vmem>>, %arg11: memref<1x16xf32, #tpu.memory_space<vmem>>, %arg12: memref<4096x16xf32, #tpu.memory_space<vmem>>, %arg13: memref<4096x1xf32, #tpu.memory_space<vmem>>) attributes {dimension_semantics = [], scalar_prefetch = 0 : i64, scratch_operands = 0 : i64, tpu.core_type = #tpu.core_type<tc>} {
    %get3A = arith.constant 0 : index
    %get3A_0 = arith.constant 0 : index
    %get3A_1 = vector.load %arg1[%get3A, %get3A_0] : memref<4096x16xf32, #tpu.memory_space<vmem>>, vector<4096x16xf32>
    %get3A_2 = arith.constant 0 : index
    %get3A_3 = arith.constant 0 : index
    %get3A_4 = vector.load %arg0[%get3A_2, %get3A_3] : memref<4096x320xf32, #tpu.memory_space<vmem>>, vector<4096x320xf32>
    %get3A_5 = arith.constant 0 : index
    %get3A_6 = arith.constant 0 : index
    %get3A_7 = vector.load %arg3[%get3A_5, %get3A_6] : memref<320x320xf32, #tpu.memory_space<vmem>>, vector<320x320xf32>
    %dot_general3A = arith.constant dense<0.000000e+00> : vector<4096x320xf32>
    %dot_general3A_8 = tpu.matmul %get3A_4, %get3A_7, %dot_general3A {dimension_numbers = #tpu.dot_dimension_numbers<[1], [0], [0], [1], [0, 0, 1, 1], [], []>, transpose_lhs_hint = false} : vector<4096x320xf32>, vector<320x320xf32>, vector<4096x320xf32> -> vector<4096x320xf32>
    %get3A_9 = arith.constant 0 : index
    %get3A_10 = arith.constant 0 : index
    %get3A_11 = vector.load %arg4[%get3A_9, %get3A_10] : memref<16x320xf32, #tpu.memory_space<vmem>>, vector<16x320xf32>
    %dot_general3A_12 = arith.constant dense<0.000000e+00> : vector<4096x320xf32>
    %dot_general3A_13 = tpu.matmul %get3A_1, %get3A_11, %dot_general3A_12 {dimension_numbers = #tpu.dot_dimension_numbers<[1], [0], [0], [1], [0, 0, 1, 1], [], []>, transpose_lhs_hint = false} : vector<4096x16xf32>, vector<16x320xf32>, vector<4096x320xf32> -> vector<4096x320xf32>
    %add3A = arith.addf %dot_general3A_8, %dot_general3A_13 : vector<4096x320xf32>
    %get3A_14 = arith.constant 0 : index
    %get3A_15 = arith.constant 0 : index
    %get3A_16 = vector.load %arg5[%get3A_14, %get3A_15] : memref<1x320xf32, #tpu.memory_space<vmem>>, vector<1x320xf32>
    %add3A_17 = vector.broadcast %get3A_16 : vector<1x320xf32> to vector<4096x320xf32>
    %add3A_18 = arith.addf %add3A, %add3A_17 : vector<4096x320xf32>
    %ge3A = arith.constant 0.000000e+00 : f32
    %ge3A_19 = vector.broadcast %ge3A : f32 to vector<4096x320xf32>
    %ge3A_20 = arith.cmpf oge, %add3A_18, %ge3A_19 : vector<4096x320xf32>
    %mul3A = arith.constant 0.00999999977 : f32
    %mul3A_21 = vector.broadcast %mul3A : f32 to vector<4096x320xf32>
    %mul3A_22 = arith.mulf %mul3A_21, %add3A_18 : vector<4096x320xf32>
    %select_n3A = arith.select %ge3A_20, %add3A_18, %mul3A_22 : vector<4096x320xi1>, vector<4096x320xf32>
    %get3A_23 = arith.constant 0 : index
    %get3A_24 = arith.constant 0 : index
    %get3A_25 = vector.load %arg6[%get3A_23, %get3A_24] : memref<320x16xf32, #tpu.memory_space<vmem>>, vector<320x16xf32>
    %dot_general3A_26 = arith.constant dense<0.000000e+00> : vector<4096x16xf32>
    %dot_general3A_27 = tpu.matmul %select_n3A, %get3A_25, %dot_general3A_26 {dimension_numbers = #tpu.dot_dimension_numbers<[1], [0], [0], [1], [0, 0, 1, 1], [], []>, transpose_lhs_hint = false} : vector<4096x320xf32>, vector<320x16xf32>, vector<4096x16xf32> -> vector<4096x16xf32>
    %get3A_28 = arith.constant 0 : index
    %get3A_29 = arith.constant 0 : index
    %get3A_30 = vector.load %arg11[%get3A_28, %get3A_29] : memref<1x16xf32, #tpu.memory_space<vmem>>, vector<1x16xf32>
    %add3A_31 = vector.broadcast %get3A_30 : vector<1x16xf32> to vector<4096x16xf32>
    %add3A_32 = arith.addf %dot_general3A_27, %add3A_31 : vector<4096x16xf32>
    %get3A_33 = arith.constant 0 : index
    %get3A_34 = arith.constant 0 : index
    %get3A_35 = vector.load %arg7[%get3A_33, %get3A_34] : memref<16x16xf32, #tpu.memory_space<vmem>>, vector<16x16xf32>
    %dot_general3A_36 = arith.constant dense<0.000000e+00> : vector<4096x16xf32>
    %dot_general3A_37 = tpu.matmul %get3A_1, %get3A_35, %dot_general3A_36 {dimension_numbers = #tpu.dot_dimension_numbers<[1], [0], [0], [1], [0, 0, 1, 1], [], []>, transpose_lhs_hint = false} : vector<4096x16xf32>, vector<16x16xf32>, vector<4096x16xf32> -> vector<4096x16xf32>
    %get3A_38 = arith.constant 0 : index
    %get3A_39 = arith.constant 0 : index
    %get3A_40 = vector.load %arg2[%get3A_38, %get3A_39] : memref<4096x16xf32, #tpu.memory_space<vmem>>, vector<4096x16xf32>
    %get3A_41 = arith.constant 0 : index
    %get3A_42 = arith.constant 0 : index
    %get3A_43 = vector.load %arg8[%get3A_41, %get3A_42] : memref<16x16xf32, #tpu.memory_space<vmem>>, vector<16x16xf32>
    %dot_general3A_44 = arith.constant dense<0.000000e+00> : vector<4096x16xf32>
    %dot_general3A_45 = tpu.matmul %get3A_40, %get3A_43, %dot_general3A_44 {dimension_numbers = #tpu.dot_dimension_numbers<[1], [0], [0], [1], [0, 0, 1, 1], [], []>, transpose_lhs_hint = false} : vector<4096x16xf32>, vector<16x16xf32>, vector<4096x16xf32> -> vector<4096x16xf32>
    %add3A_46 = arith.addf %dot_general3A_37, %dot_general3A_45 : vector<4096x16xf32>
    %get3A_47 = arith.constant 0 : index
    %get3A_48 = arith.constant 0 : index
    %get3A_49 = vector.load %arg10[%get3A_47, %get3A_48] : memref<1x16xf32, #tpu.memory_space<vmem>>, vector<1x16xf32>
    %add3A_50 = vector.broadcast %get3A_49 : vector<1x16xf32> to vector<4096x16xf32>
    %add3A_51 = arith.addf %add3A_46, %add3A_50 : vector<4096x16xf32>
    %ge3A_52 = arith.constant 0.000000e+00 : f32
    %ge3A_53 = vector.broadcast %ge3A_52 : f32 to vector<4096x16xf32>
    %ge3A_54 = arith.cmpf oge, %add3A_51, %ge3A_53 : vector<4096x16xf32>
    %mul3A_55 = arith.constant 0.00999999977 : f32
    %mul3A_56 = vector.broadcast %mul3A_55 : f32 to vector<4096x16xf32>
    %mul3A_57 = arith.mulf %mul3A_56, %add3A_51 : vector<4096x16xf32>
    %select_n3A_58 = arith.select %ge3A_54, %add3A_51, %mul3A_57 : vector<4096x16xi1>, vector<4096x16xf32>
    %get3A_59 = arith.constant 0 : index
    %get3A_60 = arith.constant 0 : index
    %get3A_61 = vector.load %arg9[%get3A_59, %get3A_60] : memref<16x16xf32, #tpu.memory_space<vmem>>, vector<16x16xf32>
    %dot_general3A_62 = arith.constant dense<0.000000e+00> : vector<4096x16xf32>
    %dot_general3A_63 = tpu.matmul %select_n3A_58, %get3A_61, %dot_general3A_62 {dimension_numbers = #tpu.dot_dimension_numbers<[1], [0], [0], [1], [0, 0, 1, 1], [], []>, transpose_lhs_hint = false} : vector<4096x16xf32>, vector<16x16xf32>, vector<4096x16xf32> -> vector<4096x16xf32>
    %get3A_64 = arith.constant 0 : index
    %get3A_65 = arith.constant 0 : index
    %get3A_66 = vector.load %arg11[%get3A_64, %get3A_65] : memref<1x16xf32, #tpu.memory_space<vmem>>, vector<1x16xf32>
    %add3A_67 = vector.broadcast %get3A_66 : vector<1x16xf32> to vector<4096x16xf32>
    %add3A_68 = arith.addf %dot_general3A_63, %add3A_67 : vector<4096x16xf32>
    %swap3A = arith.constant 0 : index
    %swap3A_69 = arith.constant 0 : index
    %swap3A_70 = vector.load %arg12[%swap3A, %swap3A_69] : memref<4096x16xf32, #tpu.memory_space<vmem>>, vector<4096x16xf32>
    tpu.vector_store %arg12[%swap3A, %swap3A_69], %add3A_32 {strides = array<i32>} : memref<4096x16xf32, #tpu.memory_space<vmem>>, vector<4096x16xf32>,
    %mul3A_71 = arith.mulf %add3A_32, %add3A_68 : vector<4096x16xf32>
    %reduce_sum3A = arith.constant dense<0.000000e+00> : vector<4096xf32>
    %reduce_sum3A_72 = vector.multi_reduction <add>, %mul3A_71, %reduce_sum3A [1] : vector<4096x16xf32> to vector<4096xf32>
    %broadcast_in_dim3A = vector.shape_cast %reduce_sum3A_72 : vector<4096xf32> to vector<4096x1xf32>
    %swap3A_73 = arith.constant 0 : index
    %swap3A_74 = arith.constant 0 : index
    %swap3A_75 = vector.load %arg13[%swap3A_73, %swap3A_74] : memref<4096x1xf32, #tpu.memory_space<vmem>>, vector<4096x1xf32>
    tpu.vector_store %arg13[%swap3A_73, %swap3A_74], %broadcast_in_dim3A {strides = array<i32>} : memref<4096x1xf32, #tpu.memory_space<vmem>>, vector<4096x1xf32>,
    return
  }
}

</mosaic_0001>

<sc_bundles>
// kernel: kernel.4.cloned.1.call-start
scs
__scs_entry_jumppad:
0x0: {  	(pc) =	sbr.rel $0x88, $3  }
0x1: {  	(tag) =	ssettag $0x0;
	lr =	simm.s32 $0x1  }
0x2: {  	[smem:$0x3F98] =	sst lr;
	_ =	strace $0xD0000000  }
0x3: {  	_ = 	snop  }
0x4: {  	_ = 	snop  }
0x5: {  	_ = 	snop  }
0x6: {  	_ = 	snop  }
0x7: {  	_ = 	snop  }
__scs_overlays_trampoline_lowered:
0x8: {  	[smem:$0x3FA7] =	sst s0  }
0x9: {  	[smem:$0x3FA8] =	sst s1  }
0xa: {  	[smem:$0x3FA9] =	sst s2  }
0xb: {  	[smem:$0x3FAA] =	sst s3  }
0xc: {  	[smem:$0x3FAB] =	sst s4  }
0xd: {  	[smem:$0x3FAC] =	sst s5  }
0xe: {  	[smem:$0x3FAD] =	sst s6  }
0xf: {  	[smem:$0x3FAE] =	sst s7  }
0x10: {  	[smem:$0x3FAF] =	sst s8  }
0x11: {  	[smem:$0x3FB0] =	sst s9;
	s0 =	simm.s32 @!p0 $0x0  }
0x12: {  	s1 =	sld [smem:$0x3F96];
	s0 =	simm.s32 @p0 $0x1  }
0x13: {  	[smem:$0x3FB1] =	sst s0;
	s0 =	simm.s32 @!p1 $0x0  }
0x14: {  	s2 =	sld [smem:$0x3F95];
	s0 =	simm.s32 @p1 $0x1  }
0x15: {  	[smem:$0x3FB2] =	sst s0;
	s0 =	simm.s32 @!p2 $0x0  }
0x16: {  	s3 =	sld [smem:$0x3FDB];
	s0 =	simm.s32 @p2 $0x1  }
0x17: {  	s4 =	simm.s32 $0x1BF5;
	[smem:$0x3FB4] =	sst s0  }
0x18: {  	s0 =	sld [smem:$0x3F97];
	_ =	swait.ge [sflag:s4], $0x0  }
0x19: {  	s7 =	sld [smem:$0x3F98]  }
0x1a: {  	s8 =	sadd.s32 $0xFFFFE003, lr  }
0x1b: {  	s9 =	sadd.s32 $0xFFFFFEF7, lr;
	s5 =	simm.s32 $0xFFFFFFFF;
	p2 =	slt.u32 s8, $0xFFFFF086  }
0x1c: {  	p1 =	slt.u32 s9, $0xF7A;
	s5 =	simm.s32 @!p2 $0x0  }
0x1d: {  	s5 =	simm.s32 @p1 $0x1;
	p0 =	seq.s32 s7, s2  }
0x1e: {  	s7 =	smul.u32 @!p0 $0xF7A, s2;
	p2 =	seq.s32 @!p0 s5, $0x0  }
0x1f: {  	s9 =	smul.u32 $0xF7A, s1;
	s8 =	simm.s32 @!p0 $0x1BF5;
	p2 =	por !p2, p0  }
0x20: {  	[sflag:s8] =	ssyncset.s32 @!p0 $0xFFFFF086;
	s6 =	sadd.s32 @!p0 s3, s7;
	s7 =	simm.s32 @!p0 $0x108  }
0x21: {  	s3 =	sadd.s32 s3, s9;
	s6 =	sadd.s32 @!p0 $0x88, s6;
	s7 =	simm.s32 @p2 $0x1082  }
0x22: {  	[simem:s7], [sflag:s8] =	dma.local @!p0 [hbm:s6], $0xF7A  }
0x23: {  	s9 =	sor.u32 $0xD0000000, s2;
	s6 =	simm.s32 $0x108;
	_ =	swait.ge @!p0 [sflag:s8], $0x0  }
0x24: {  	s3 =	sadd.s32 $0x88, s3;
	s6 =	simm.s32 @!p1 $0x1082;
	[sflag:s4] =	ssyncset.s32 $0xFFFFF086  }
0x25: {  	[simem:s6], [sflag:s4] =	dma.local [hbm:s3], $0xF7A  }
0x26: {  	[smem:$0x3F98] =	sst s1;
	(tag) =	ssettag s2;
	_ =	strace s9  }
0x27: {  	s1 =	sld [smem:$0x3FA8]  }
0x28: {  	s2 =	sld [smem:$0x3FA9]  }
0x29: {  	s4 =	sld [smem:$0x3FAB]  }
0x2a: {  	p0 =	seq.s32 s5, $0x0;
	s5 =	sld [smem:$0x3FAC]  }
0x2b: {  	s6 =	sld [smem:$0x3FAD]  }
0x2c: {  	s7 =	sld [smem:$0x3FAE]  }
0x2d: {  	s3 =	simm.s32 $0x108;
	s8 =	sld [smem:$0x3FAF]  }
0x2e: {  	s3 =	simm.s32 @!p0 $0x1082;
	s9 =	sld [smem:$0x3FB0]  }
0x2f: {  	lr =	sadd.s32 s0, s3;
	s0 =	sld [smem:$0x3FA7]  }
0x30: {  	s3 =	sld [smem:$0x3FAA]  }
0x31: {  	[smem:$0x3FB3] =	sst s10  }
0x32: {  	s10 =	sld [smem:$0x3FB1];
	_ =	sdelay $0x3  }
0x33: {  	p0 =	seq.s32 s10, $0x1;
	s10 =	sld [smem:$0x3FB3];
	_ =	sdelay $0x3  }
0x34: {  	[smem:$0x3FB3] =	sst s10  }
0x35: {  	s10 =	sld [smem:$0x3FB2];
	_ =	sdelay $0x3  }
0x36: {  	p1 =	seq.s32 s10, $0x1;
	s10 =	sld [smem:$0x3FB3];
	_ =	sdelay $0x3  }
0x37: {  	[smem:$0x3FB3] =	sst s10  }
0x38: {  	s10 =	sld [smem:$0x3FB4]  }
0x39: {  	_ = 	snop;
	(pc) =	sbr.ind lr, $3  }
0x3a: {  	_ = 	snop  }
0x3b: {  	_ = 	snop  }
0x3c: {  	p2 =	seq.s32 s10, $0x1;
	s10 =	sld [smem:$0x3FB3]  }
0x3d: {  	_ =	shalt  }
0x3e: {  	_ =	shalt  }
0x3f: {  	_ =	shalt  }
0x40: {  	_ =	shalt  }
0x41: {  	_ =	shalt  }
0x42: {  	_ =	shalt  }
0x43: {  	_ =	shalt  }
0x44: {  	_ =	shalt  }
0x45: {  	_ =	shalt  }
0x46: {  	_ =	shalt  }
0x47: {  	_ =	shalt  }
0x48: {  	_ =	shalt  }
0x49: {  	_ =	shalt  }
0x4a: {  	_ =	shalt  }
0x4b: {  	_ =	shalt  }
0x4c: {  	_ =	shalt  }
0x4d: {  	_ =	shalt  }
0x4e: {  	_ =	shalt  }
0x4f: {  	_ =	shalt  }
0x50: {  	_ =	shalt  }
0x51: {  	_ =	shalt  }
0x52: {  	_ =	shalt  }
0x53: {  	_ =	shalt  }
0x54: {  	_ =	shalt  }
0x55: {  	_ =	shalt  }
0x56: {  	_ =	shalt  }
0x57: {  	_ =	shalt  }
0x58: {  	_ =	shalt  }
0x59: {  	_ =	shalt  }
0x5a: {  	_ =	shalt  }
0x5b: {  	_ =	shalt  }
0x5c: {  	_ =	shalt  }
0x5d: {  	_ =	shalt  }
0x5e: {  	_ =	shalt  }
0x5f: {  	_ =	shalt  }
0x60: {  	_ =	shalt  }
0x61: {  	_ =	shalt  }
0x62: {  	_ =	shalt  }
0x63: {  	_ =	shalt  }
0x64: {  	_ =	shalt  }
0x65: {  	_ =	shalt  }
0x66: {  	_ =	shalt  }
0x67: {  	_ =	shalt  }
0x68: {  	_ =	shalt  }
0x69: {  	_ =	shalt  }
0x6a: {  	_ =	shalt  }
0x6b: {  	_ =	shalt  }
0x6c: {  	_ =	shalt  }
0x6d: {  	_ =	shalt  }
0x6e: {  	_ =	shalt  }
0x6f: {  	_ =	shalt  }
0x70: {  	_ =	shalt  }
0x71: {  	_ =	shalt  }
0x72: {  	_ =	shalt  }
0x73: {  	_ =	shalt  }
0x74: {  	_ =	shalt  }
0x75: {  	_ =	shalt  }
0x76: {  	_ =	shalt  }
0x77: {  	_ =	shalt  }
0x78: {  	_ =	shalt  }
0x79: {  	_ =	shalt  }
0x7a: {  	_ =	shalt  }
0x7b: {  	_ =	shalt  }
0x7c: {  	_ =	shalt  }
0x7d: {  	_ =	shalt  }
0x7e: {  	_ =	shalt  }
0x7f: {  	_ =	shalt  }
0x80: {  	_ =	shalt  }
0x81: {  	_ =	shalt  }
0x82: {  	_ =	shalt  }
0x83: {  	_ =	shalt  }
0x84: {  	_ =	shalt  }
0x85: {  	_ =	shalt  }
0x86: {  	_ =	shalt  }
0x87: {  	_ =	shalt  }
.Lfunc_end0:
.L_simem_size_0:
called_computation_lowered:
.L_overlay_start_0:
0x88: {  	s2 =	sld [smem:$0x3FD9]  }
0x89: {  	s3 =	sld [smem:$0x3FFE];
	_ =	sdelay $0x1  }
0x8a: {  	s1 =	srdreg.scid  }
0x8b: {  	s0 =	sand.u32 $0x1, s1  }
0x8c: {  	s14 =	sshll.u32 s0, $0xA;
	s2 =	sadd.s32 s3, s2  }
0x8d: {  	s2 =	sadd.s32 s2, s14  }
0x8e: {  	[smem:$0x3FBF] =	sst s2  }
0x8f: {  	_ = 	snop  }
0x90: {  	s2 =	sld [smem:$0x3FD0];
	_ =	sdelay $0x1  }
0x91: {  	s15 =	sld [smem:$0x3FC9]  }
0x92: {  	s5 =	simm.s32 $0xA;
	s6 =	simm.s32 $0x10;
	s4 =	sld [smem:$0x3FC8]  }
0x93: {  	[smem:s6], [sflag:s5] =	dma.local [hbm:s2], $0x1  }
0x94: {  	_ =	swait.eq [sflag:s5], $0x1  }
0x95: {  	[sflag:s5] =	ssyncset.done $0x0  }
0x96: {  	s16 =	sld [smem:$0x11];
	[sflag:s5] =	ssyncadd.s32 $0xFFFFFFFF  }
0x97: {  	s17 =	sld [smem:$0x12];
	(tm) =	ssettm $0x1  }
0x98: {  	s18 =	sld [smem:$0x3FFB];
	_ =	sdelay $0x3  }
0x99: {  	_ =	strace s18  }
0x9a: {  	s6 =	sld [smem:$0x3FFC];
	_ =	sdelay $0x3  }
0x9b: {  	_ =	strace s6  }
0x9c: {  	s6 =	sld [smem:$0x3FFD];
	_ =	sdelay $0x3  }
0x9d: {  	_ =	strace s6  }
0x9e: {  	_ =	strace $0x8FFFFFFF  }
0x9f: {  	s19 =	sld [smem:$0x3FDB];
	_ =	sdelay $0x1  }
0xa0: {  	s7 =	simm.s32 $_scs_section_size  }
0xa1: {  	s8 =	simm.s32 $_size__tile_overlayer_lowered;
	s9 =	simm.s32 $_tile_overlayer_lowered  }
0xa2: {  	s22 =	simm.s32 $0x1BFF;
	s21 =	sshll.u32 s9, $0x1;
	s6 =	sadd.s32 s7, s19  }
0xa3: {  	s10 =	simm.s32 $0x0;
	s20 =	sshll.u32 s8, $0x1;
	s8 =	sadd.s32 s21, s6  }
0xa4: {  	[timem:s10], [sflag:s22] =	dma.local [hbm:s8], s20  }
0xa5: {  	_ =	swait.ge [sflag:s22], s20  }
0xa6: {  	s7 =	ssub.s32 $0x0, s20;
	[sflag:s22] =	ssyncset.done $0x0  }
0xa7: {  	[sflag:s22] =	ssyncadd.s32 s7;
	_ =	sdelay $0x1  }
0xa8: {  	s23 =	simm.s32 $0x1B8B  }
0xa9: {  	_ =	swait.ge [sflag:s23], $0x1  }
0xaa: {  	[sflag:s23] =	ssyncset.done $0x0  }
0xab: {  	s25 =	simm.s32 $0x1B8E;
	s24 =	sld [smem:$0x3FFE];
	[sflag:s23] =	ssyncadd.s32 $0xFFFFFFFF  }
0xac: {  	s26 =	simm.s32 $execute0_lowered;
	[smem:$0x3FD2] =	sst s25  }
0xad: {  	s8 =	sshll.u32 s26, $0x1;
	_ =	strace $0x80000046;
	[dreg:$0x1] =	wrdreg $0xFFFFFFFF  }
0xae: {  	s28 =	simm.s32 $_size_execute0_lowered;
	s6 =	sadd.s32 s6, s8;
	[dreg:$0x0] =	wrdreg $0x0  }
0xaf: {  	s8 =	sshll.u32 s28, $0x1;
	[dreg:$0x2] =	wrdreg s6  }
0xb0: {  	[dreg:$0x3] =	wrdreg s8  }
0xb1: {  	[dreg:$0x4] =	wrdreg $0xC0  }
0xb2: {  	_ =	task [dreg:s10], $0x5FFFF  }
0xb3: {  	[dreg:$0x1] =	wrdreg $0xFFFFFFFF  }
0xb4: {  	[dreg:$0x0] =	wrdreg $0x60  }
0xb5: {  	[dreg:$0x2] =	wrdreg s15  }
0xb6: {  	[dreg:$0x3] =	wrdreg s4  }
0xb7: {  	[dreg:$0x4] =	wrdreg s24  }
0xb8: {  	[dreg:$0x5] =	wrdreg s17  }
0xb9: {  	[dreg:$0x6] =	wrdreg s16  }
0xba: {  	[dreg:$0x7] =	wrdreg $0x9  }
0xbb: {  	_ =	task.clear_ibuf [dreg:s10], $0x8FFFF;
	_ =	strace $0x90000046  }
0xbc: {  	s29 =	simm.s32 $0x9;
	_ =	strace $0x80000048  }
0xbd: {  	_ =	swait.ge [sflag:s29], $0x1  }
0xbe: {  	[sflag:s29] =	ssyncadd.s32 $0xFFFFFFFF  }
0xbf: {  	_ =	strace $0x90000048  }
0xc0: {  	_ =	sfence  }
0xc1: {  	s30 =	sld [smem:$0x0];
	_ =	sdelay $0x2  }
0xc2: {  	s31 =	sshll.u32 s1, $0xD;
	s1 =	sshrl.u32 s1, $0x2  }
0xc3: {  	s3 =	sand.u32 $0x4000, s31;
	s1 =	sadd.s32 s1, s30  }
0xc4: {  	s0 =	sor.u32 s3, s0;
	s1 =	sshll.u32 s1, $0x11  }
0xc5: {  	s0 =	sor.u32 s1, s0  }
0xc6: {  	s0 =	sadd.s32 $0x8F2B, s0  }
0xc7: {  	[sflag:s0] =	ssyncadd.remote.s32 $0x1  }
0xc8: {  	_ =	sfence.sel $0xFFFF  }
0xc9: {  	[dreg:$0x0] =	wrdreg $0xFFFFFFFF;
	(pc) =	sbr.abs _section_cstart, $3  }
0xca: {  	[dreg:$0x1] =	wrdreg $0xFFFFFFFF  }
0xcb: {  	_ =	task.clear_ibuf [dreg:s10], $0x2FFFF;
	_ =	strace $0x9FFFFFFF  }
0xcc: {  	(tm) =	ssettm $0x7FFFFFFF  }
0xcd: {  	_ =	shalt  }
tec
execute0_lowered:
.L_overlay_start_1:
0x0: {  	(tag) =	ssettag $0x1  }
0x1: {  	s1 =	rddreg [dreg:$0x0]  }
0x2: {  	s3 =	rddreg [dreg:$0x1]  }
0x3: {  	s0 =	rddreg [dreg:$0x2]  }
0x4: {  	s4 =	rddreg [dreg:$0x3]  }
0x5: {  	s5 =	rddreg [dreg:$0x4];
	s2 =	simm.s32 $0x0  }
0x6: {  	[smem:$0x7FF] =	sst s2;
	s9 =	sadd.s32 $0x188E00, s0  }
0x7: {  	s11 =	simm.s32 $0x380;
	_ =	strace $0x80000047;
	[dreg:$0x6] =	wrdreg s9  }
0x8: {  	s12 =	simm.s32 $0x400;
	[dreg:$0x11] =	wrdreg s11  }
0x9: {  	s13 =	simm.s32 $0x480;
	[dreg:$0x12] =	wrdreg s12  }
0xa: {  	s14 =	simm.s32 $0x500;
	[dreg:$0x13] =	wrdreg s13  }
0xb: {  	s6 =	srdreg.scid;
	s15 =	simm.s32 $0x580;
	[dreg:$0x14] =	wrdreg s14  }
0xc: {  	s7 =	stileid.u32;
	s16 =	simm.s32 $0x600;
	[dreg:$0x15] =	wrdreg s15  }
0xd: {  	s17 =	simm.s32 $0x680;
	s18 =	simm.s32 $0x700;
	[dreg:$0x16] =	wrdreg s16  }
0xe: {  	s19 =	simm.s32 $0x780;
	s20 =	simm.s32 $0x800;
	[dreg:$0x17] =	wrdreg s17  }
0xf: {  	s28 =	simm.s32 $0xC80;
	s29 =	simm.s32 $0xD00;
	[dreg:$0x18] =	wrdreg s18  }
0x10: {  	s30 =	simm.s32 $0xD80;
	s31 =	simm.s32 $0xE00;
	[dreg:$0x19] =	wrdreg s19  }
0x11: {  	p0 =	por $0x0, $0x0;
	s9 =	simm.s32 $0x280;
	[dreg:$0x1a] =	wrdreg s20  }
0x12: {  	s6 =	sand.u32 $0x1, s6;
	s11 =	simm.s32 $0x5500;
	[dreg:$0xf] =	wrdreg s9  }
0x13: {  	s7 =	sshll.u32 s7, $0x1;
	s12 =	simm.s32 $0x5D00;
	[smem:$0x7F0] =	sst s11  }
0x14: {  	s7 =	sor.u32 s6, s7;
	s13 =	simm.s32 $0x6500;
	[smem:$0x7F1] =	sst s12  }
0x15: {  	s14 =	sadd.s32 $0x2400, s0;
	s15 =	simm.s32 $0x6D00;
	[smem:$0x7F2] =	sst s13  }
0x16: {  	s16 =	simm.s32 $0x7500;
	s17 =	simm.s32 $0x7D00;
	[smem:$0x7F3] =	sst s15  }
0x17: {  	s18 =	simm.s32 $0x8500;
	s19 =	simm.s32 $0x8D00;
	[smem:$0x7F4] =	sst s16  }
0x18: {  	s20 =	simm.s32 $0x9500;
	s8 =	smul.u32 $0x140, s7;
	[smem:$0x7F5] =	sst s17  }
0x19: {  	s10 =	sshll.u32 s7, $0x4;
	s21 =	smul.u32 $0x1400, s7;
	[smem:$0x7F6] =	sst s18  }
0x1a: {  	s26 =	sshll.u32 s7, $0x8;
	s7 =	simm.s32 $0x180;
	[smem:$0x7F7] =	sst s19  }
0x1b: {  	s9 =	simm.s32 $0x4500;
	[smem:$0x7F8] =	sst s20;
	s16 =	simm.s32 $0xF00  }
0x1c: {  	s17 =	simm.s32 $0xF80;
	s18 =	simm.s32 $0x1000;
	[dreg:$0xd] =	wrdreg s7  }
0x1d: {  	s19 =	simm.s32 $0x1100;
	s1 =	sadd.s32 s1, s10;
	[smem:$0x7EE] =	sst s9  }
0x1e: {  	s20 =	simm.s32 $0x1180;
	s22 =	sadd.s32 s3, s10;
	[dreg:$0x7] =	wrdreg s1  }
0x1f: {  	s15 =	simm.s32 $0x1300;
	s4 =	sadd.s32 s4, s26;
	[dreg:$0x8] =	wrdreg s22  }
0x20: {  	s13 =	simm.s32 $0x1380;
	s5 =	sadd.s32 s5, s26;
	[dreg:$0xb] =	wrdreg s4  }
0x21: {  	s11 =	simm.s32 $0x1400;
	s10 =	simm.s32 $0x300;
	[dreg:$0xc] =	wrdreg s5  }
0x22: {  	s12 =	simm.s32 $0x1480;
	s7 =	simm.s32 $0x3500;
	[dreg:$0x10] =	wrdreg s10  }
0x23: {  	s23 =	sadd.s32 s21, s0;
	s21 =	simm.s32 $0x880;
	[smem:$0x7EC] =	sst s7  }
0x24: {  	s3 =	simm.s32 $0x2;
	s22 =	simm.s32 $0x900;
	[dreg:$0x1b] =	wrdreg s21  }
0x25: {  	s8 =	sadd.s32 s8, s0;
	s5 =	simm.s32 $0xA80;
	[dreg:$0x1c] =	wrdreg s22  }
0x26: {  	s4 =	sadd.s32 $0xF44800, s0;
	s10 =	simm.s32 $0x4D00;
	[dreg:$0x1f] =	wrdreg s5  }
0x27: {  	s7 =	simm.s32 $0x80;
	s0 =	simm.s32 $0xE80;
	[smem:$0x7EF] =	sst s10  }
0x28: {  	s24 =	sadd.s32 $0x7C600, s8;
	s25 =	sadd.s32 $0x7EE00, s23;
	s5 =	rddreg [dreg:$0x7]  }
0x29: {  	s8 =	simm.s32 $0x200;
	s23 =	simm.s32 $0x980;
	[dreg:$0x9] =	wrdreg s24  }
0x2a: {  	s21 =	simm.s32 $0x9D00;
	s22 =	simm.s32 $0xA500;
	[dreg:$0xa] =	wrdreg s25  }
0x2b: {  	s10 =	simm.s32 $0x2500;
	[dreg:$0xe] =	wrdreg s8;
	s24 =	ssub.s32 $0x2, s6  }
0x2c: {  	[dreg:$0x1d] =	wrdreg s23;
	s25 =	simm.s32 $0xA00;
	s26 =	sshrl.u32 s24, $0x1  }
0x2d: {  	s6 =	simm.s32 $0x2D00;
	[smem:$0x7F9] =	sst s21;
	s1 =	ssub.s32 s24, s26  }
0x2e: {  	s8 =	simm.s32 $0x3D00;
	[smem:$0x7FA] =	sst s22;
	s1 =	smax.u32 s1, $0x1  }
0x2f: {  	s23 =	simm.s32 $0xAD00;
	[dreg:$0x1e] =	wrdreg s25;
	p1 =	sne.s32 s1, $0x1  }
.Ltmp0:
0x30: {  	s21 =	simm.s32 $0x1080;
	[smem:$0x7EB] =	sst s6;
	(pc) =	sbr.rel @!p1 .LBB2_4-.Ltmp0, $4  }
0x31: {  	s22 =	simm.s32 $0x1200;
	[smem:$0x7ED] =	sst s8;
	s6 =	simm.s32 $0x1D00  }
0x32: {  	s8 =	simm.s32 $0x1;
	[smem:$0x7FB] =	sst s23;
	s25 =	simm.s32 $0xBD00  }
0x33: {  	s23 =	simm.s32 $0x1280;
	s24 =	simm.s32 $0xB500;
	[smem:$0x7FD] =	sst s25  }
0x34: {  	s26 =	simm.s32 $0xC00;
	[smem:$0x7FC] =	sst s24;
	s9 =	sadd.s32 $0xFFFFFFFF, s1  }
0x35: {  	[tilespmem:s2], [sflag:$0x2] =	stream.linear.gather [hbm4b:s5+s2], $0x80, $0x38;
	[tilespmem:$0xC500] =	vst v63  }
0x36: {  	_ =	swait.ge [sflag:s3], $0x80  }
0x37: {  	[sflag:s3] =	ssyncset.done $0x0  }
0x38: {  	s1 =	rddreg [dreg:$0x8];
	[sflag:s3] =	ssyncadd.s32 $0xFFFFFF80  }
0x39: {  	[tilespmem:s7], [sflag:$0x2] =	stream.linear.gather [hbm4b:s1+s2], $0x80, $0x38;
	[tilespmem:$0xC500] =	vst v63  }
0x3a: {  	_ =	swait.ge [sflag:s3], $0x80  }
0x3b: {  	[sflag:s3] =	ssyncset.done $0x0  }
0x3c: {  	s1 =	simm.s32 $0x100;
	s24 =	rddreg [dreg:$0x9];
	[sflag:s3] =	ssyncadd.s32 $0xFFFFFF80  }
0x3d: {  	[tilespmem:s1], [sflag:$0x2] =	stream.linear.gather [hbm4b:s24+s2], $0xA00, $0x38;
	[tilespmem:$0xC500] =	vst v63  }
0x3e: {  	_ =	swait.ge [sflag:s3], $0xA00  }
0x3f: {  	[sflag:s3] =	ssyncset.done $0x0  }
0x40: {  	s24 =	simm.s32 $0x1500;
	s25 =	rddreg [dreg:$0x6];
	[sflag:s3] =	ssyncadd.s32 $0xFFFFF600  }
0x41: {  	[tilespmem:s24], [sflag:$0x1] =	stream.indirect.gather [hbm4b:s25+s7], $0x10, s2, s7, $0xb8;
	[tilespmem:$0xC500] =	vst v63  }
0x42: {  	_ = 	snop  }
0x43: {  	[tilespmem:s6], [sflag:$0x1] =	stream.indirect.gather [hbm4b:s4+s7], $0x10, s7, s7, $0xb8;
	[tilespmem:$0xC500] =	vst v63  }
0x44: {  	s24 =	simm.s32 $0xB00  }
0x45: {  	[tilespmem:s24], [sflag:$0x1] =	stream.indirect.gather [hbm4b:s14+s7], $0x1, s1, s7, $0xb8;
	[tilespmem:$0xC500] =	vst v63  }
0x46: {  	s5 =	rddreg [dreg:$0xd];
	s25 =	simm.s32 $0xB80  }
0x47: {  	[tilespmem:s25], [sflag:$0x1] =	stream.indirect.gather [hbm4b:s14+s7], $0x1, s5, s7, $0xb8;
	[tilespmem:$0xC500] =	vst v63  }
0x48: {  	s1 =	rddreg [dreg:$0xe]  }
0x49: {  	[tilespmem:s26], [sflag:$0x1] =	stream.indirect.gather [hbm4b:s14+s7], $0x1, s1, s7, $0xb8;
	[tilespmem:$0xC500] =	vst v63  }
0x4a: {  	s5 =	rddreg [dreg:$0xf]  }
0x4b: {  	[tilespmem:s28], [sflag:$0x1] =	stream.indirect.gather [hbm4b:s14+s7], $0x1, s5, s7, $0xb8;
	[tilespmem:$0xC500] =	vst v63  }
0x4c: {  	s1 =	rddreg [dreg:$0x10]  }
0x4d: {  	[tilespmem:s29], [sflag:$0x1] =	stream.indirect.gather [hbm4b:s14+s7], $0x1, s1, s7, $0xb8;
	[tilespmem:$0xC500] =	vst v63  }
0x4e: {  	s5 =	rddreg [dreg:$0x11]  }
0x4f: {  	[tilespmem:s30], [sflag:$0x1] =	stream.indirect.gather [hbm4b:s14+s7], $0x1, s5, s7, $0xb8;
	[tilespmem:$0xC500] =	vst v63  }
0x50: {  	_ =	swait.ge [sflag:s8], $0x800  }
0x51: {  	[sflag:s8] =	ssyncset.done $0x0  }
0x52: {  	[sflag:s8] =	ssyncadd.s32 $0xFFFFF800  }
0x53: {  	_ =	swait.ge [sflag:s8], $0x800  }
0x54: {  	[sflag:s8] =	ssyncset.done $0x0  }
0x55: {  	[sflag:s8] =	ssyncadd.s32 $0xFFFFF800  }
0x56: {  	_ =	swait.ge [sflag:s8], $0x80  }
0x57: {  	[sflag:s8] =	ssyncset.done $0x0  }
0x58: {  	[sflag:s8] =	ssyncadd.s32 $0xFFFFFF80  }
0x59: {  	_ =	swait.ge [sflag:s8], $0x80  }
0x5a: {  	[sflag:s8] =	ssyncset.done $0x0  }
0x5b: {  	[sflag:s8] =	ssyncadd.s32 $0xFFFFFF80  }
0x5c: {  	_ =	swait.ge [sflag:s8], $0x80  }
0x5d: {  	[sflag:s8] =	ssyncset.done $0x0  }
0x5e: {  	[sflag:s8] =	ssyncadd.s32 $0xFFFFFF80  }
0x5f: {  	_ =	swait.ge [sflag:s8], $0x80  }
0x60: {  	[sflag:s8] =	ssyncset.done $0x0  }
0x61: {  	[sflag:s8] =	ssyncadd.s32 $0xFFFFFF80  }
0x62: {  	_ =	swait.ge [sflag:s8], $0x80  }
0x63: {  	[sflag:s8] =	ssyncset.done $0x0  }
0x64: {  	[sflag:s8] =	ssyncadd.s32 $0xFFFFFF80  }
0x65: {  	_ =	swait.ge [sflag:s8], $0x80  }
0x66: {  	[sflag:s8] =	ssyncset.done $0x0  }
0x67: {  	s1 =	rddreg [dreg:$0x12];
	[sflag:s8] =	ssyncadd.s32 $0xFFFFFF80  }
0x68: {  	[tilespmem:s31], [sflag:$0x1] =	stream.indirect.gather [hbm4b:s14+s7], $0x1, s1, s7, $0xb8;
	[tilespmem:$0xC500] =	vst v63  }
0x69: {  	s5 =	rddreg [dreg:$0x13]  }
0x6a: {  	[tilespmem:s0], [sflag:$0x1] =	stream.indirect.gather [hbm4b:s14+s7], $0x1, s5, s7, $0xb8;
	[tilespmem:$0xC500] =	vst v63  }
0x6b: {  	s1 =	rddreg [dreg:$0x14]  }
0x6c: {  	[tilespmem:s16], [sflag:$0x1] =	stream.indirect.gather [hbm4b:s14+s7], $0x1, s1, s7, $0xb8;
	[tilespmem:$0xC500] =	vst v63  }
0x6d: {  	s5 =	rddreg [dreg:$0x15]  }
0x6e: {  	[tilespmem:s17], [sflag:$0x1] =	stream.indirect.gather [hbm4b:s14+s7], $0x1, s5, s7, $0xb8;
	[tilespmem:$0xC500] =	vst v63  }
0x6f: {  	s1 =	rddreg [dreg:$0x16]  }
0x70: {  	[tilespmem:s18], [sflag:$0x1] =	stream.indirect.gather [hbm4b:s14+s7], $0x1, s1, s7, $0xb8;
	[tilespmem:$0xC500] =	vst v63  }
0x71: {  	s5 =	rddreg [dreg:$0x17]  }
0x72: {  	[tilespmem:s21], [sflag:$0x1] =	stream.indirect.gather [hbm4b:s14+s7], $0x1, s5, s7, $0xb8;
	[tilespmem:$0xC500] =	vst v63  }
0x73: {  	s1 =	rddreg [dreg:$0x18]  }
0x74: {  	[tilespmem:s19], [sflag:$0x1] =	stream.indirect.gather [hbm4b:s14+s7], $0x1, s1, s7, $0xb8;
	[tilespmem:$0xC500] =	vst v63  }
0x75: {  	s5 =	rddreg [dreg:$0x19]  }
0x76: {  	[tilespmem:s20], [sflag:$0x1] =	stream.indirect.gather [hbm4b:s14+s7], $0x1, s5, s7, $0xb8;
	[tilespmem:$0xC500] =	vst v63  }
0x77: {  	_ =	swait.ge [sflag:s8], $0x80  }
0x78: {  	[sflag:s8] =	ssyncset.done $0x0  }
0x79: {  	[sflag:s8] =	ssyncadd.s32 $0xFFFFFF80  }
0x7a: {  	_ =	swait.ge [sflag:s8], $0x80  }
0x7b: {  	[sflag:s8] =	ssyncset.done $0x0  }
0x7c: {  	[sflag:s8] =	ssyncadd.s32 $0xFFFFFF80  }
0x7d: {  	_ =	swait.ge [sflag:s8], $0x80  }
0x7e: {  	[sflag:s8] =	ssyncset.done $0x0  }
0x7f: {  	[sflag:s8] =	ssyncadd.s32 $0xFFFFFF80  }
0x80: {  	_ =	swait.ge [sflag:s8], $0x80  }
0x81: {  	[sflag:s8] =	ssyncset.done $0x0  }
0x82: {  	[sflag:s8] =	ssyncadd.s32 $0xFFFFFF80  }
0x83: {  	_ =	swait.ge [sflag:s8], $0x80  }
0x84: {  	[sflag:s8] =	ssyncset.done $0x0  }
0x85: {  	[sflag:s8] =	ssyncadd.s32 $0xFFFFFF80  }
0x86: {  	_ =	swait.ge [sflag:s8], $0x80  }
0x87: {  	[sflag:s8] =	ssyncset.done $0x0  }
0x88: {  	[sflag:s8] =	ssyncadd.s32 $0xFFFFFF80  }
0x89: {  	_ =	swait.ge [sflag:s8], $0x80  }
0x8a: {  	[sflag:s8] =	ssyncset.done $0x0  }
0x8b: {  	[sflag:s8] =	ssyncadd.s32 $0xFFFFFF80  }
0x8c: {  	_ =	swait.ge [sflag:s8], $0x80  }
0x8d: {  	[sflag:s8] =	ssyncset.done $0x0  }
0x8e: {  	s1 =	rddreg [dreg:$0x1a];
	[sflag:s8] =	ssyncadd.s32 $0xFFFFFF80  }
0x8f: {  	[tilespmem:s22], [sflag:$0x1] =	stream.indirect.gather [hbm4b:s14+s7], $0x1, s1, s7, $0xb8;
	[tilespmem:$0xC500] =	vst v63  }
0x90: {  	s5 =	rddreg [dreg:$0x1b]  }
0x91: {  	[tilespmem:s23], [sflag:$0x1] =	stream.indirect.gather [hbm4b:s14+s7], $0x1, s5, s7, $0xb8;
	[tilespmem:$0xC500] =	vst v63  }
0x92: {  	s1 =	rddreg [dreg:$0x1c]  }
0x93: {  	[tilespmem:s15], [sflag:$0x1] =	stream.indirect.gather [hbm4b:s14+s7], $0x1, s1, s7, $0xb8;
	[tilespmem:$0xC500] =	vst v63  }
0x94: {  	s5 =	rddreg [dreg:$0x1d]  }
0x95: {  	[tilespmem:s13], [sflag:$0x1] =	stream.indirect.gather [hbm4b:s14+s7], $0x1, s5, s7, $0xb8;
	[tilespmem:$0xC500] =	vst v63  }
0x96: {  	s1 =	rddreg [dreg:$0x1e]  }
0x97: {  	[tilespmem:s11], [sflag:$0x1] =	stream.indirect.gather [hbm4b:s14+s7], $0x1, s1, s7, $0xb8;
	[tilespmem:$0xC500] =	vst v63  }
0x98: {  	s5 =	rddreg [dreg:$0x1f]  }
0x99: {  	[tilespmem:s12], [sflag:$0x1] =	stream.indirect.gather [hbm4b:s14+s7], $0x1, s5, s7, $0xb8;
	[tilespmem:$0xC500] =	vst v63  }
0x9a: {  	_ =	swait.ge [sflag:s8], $0x80  }
0x9b: {  	[sflag:s8] =	ssyncset.done $0x0  }
0x9c: {  	[sflag:s8] =	ssyncadd.s32 $0xFFFFFF80  }
0x9d: {  	_ =	swait.ge [sflag:s8], $0x80  }
0x9e: {  	[sflag:s8] =	ssyncset.done $0x0  }
0x9f: {  	[sflag:s8] =	ssyncadd.s32 $0xFFFFFF80  }
0xa0: {  	_ =	swait.ge [sflag:s8], $0x80  }
0xa1: {  	[sflag:s8] =	ssyncset.done $0x0  }
0xa2: {  	[sflag:s8] =	ssyncadd.s32 $0xFFFFFF80  }
0xa3: {  	_ =	swait.ge [sflag:s8], $0x80  }
0xa4: {  	[sflag:s8] =	ssyncset.done $0x0  }
0xa5: {  	[sflag:s8] =	ssyncadd.s32 $0xFFFFFF80  }
0xa6: {  	_ =	swait.ge [sflag:s8], $0x80  }
0xa7: {  	[sflag:s8] =	ssyncset.done $0x0  }
0xa8: {  	[sflag:s8] =	ssyncadd.s32 $0xFFFFFF80  }
0xa9: {  	_ =	swait.ge [sflag:s8], $0x80  }
0xaa: {  	[sflag:s8] =	ssyncset.done $0x0  }
0xab: {  	s5 =	sld [smem:$0x7EB];
	[sflag:s8] =	ssyncadd.s32 $0xFFFFFF80  }
0xac: {  	[tilespmem:s10], [sflag:$0x1] =	stream.indirect.gather [hbm4b:s4+s7], $0x10, s24, s7, $0xb8;
	[tilespmem:$0xC500] =	vst v63  }
0xad: {  	s24 =	sld [smem:$0x7EC]  }
0xae: {  	[tilespmem:s5], [sflag:$0x1] =	stream.indirect.gather [hbm4b:s4+s7], $0x10, s25, s7, $0xb8;
	[tilespmem:$0xC500] =	vst v63  }
0xaf: {  	s25 =	sld [smem:$0x7ED]  }
0xb0: {  	[tilespmem:s24], [sflag:$0x1] =	stream.indirect.gather [hbm4b:s4+s7], $0x10, s26, s7, $0xb8;
	[tilespmem:$0xC500] =	vst v63  }
0xb1: {  	s24 =	sld [smem:$0x7EE]  }
0xb2: {  	[tilespmem:s25], [sflag:$0x1] =	stream.indirect.gather [hbm4b:s4+s7], $0x10, s28, s7, $0xb8;
	[tilespmem:$0xC500] =	vst v63  }
0xb3: {  	s25 =	sld [smem:$0x7EF]  }
0xb4: {  	[tilespmem:s24], [sflag:$0x1] =	stream.indirect.gather [hbm4b:s4+s7], $0x10, s29, s7, $0xb8;
	[tilespmem:$0xC500] =	vst v63  }
0xb5: {  	s24 =	sld [smem:$0x7F0]  }
0xb6: {  	[tilespmem:s25], [sflag:$0x1] =	stream.indirect.gather [hbm4b:s4+s7], $0x10, s30, s7, $0xb8;
	[tilespmem:$0xC500] =	vst v63  }
0xb7: {  	s25 =	sld [smem:$0x7F1]  }
0xb8: {  	[tilespmem:s24], [sflag:$0x1] =	stream.indirect.gather [hbm4b:s4+s7], $0x10, s31, s7, $0xb8;
	[tilespmem:$0xC500] =	vst v63  }
0xb9: {  	_ = 	snop  }
0xba: {  	[tilespmem:s25], [sflag:$0x1] =	stream.indirect.gather [hbm4b:s4+s7], $0x10, s0, s7, $0xb8;
	[tilespmem:$0xC500] =	vst v63  }
0xbb: {  	_ =	swait.ge [sflag:s8], $0x800  }
0xbc: {  	[sflag:s8] =	ssyncset.done $0x0  }
0xbd: {  	[sflag:s8] =	ssyncadd.s32 $0xFFFFF800  }
0xbe: {  	_ =	swait.ge [sflag:s8], $0x800  }
0xbf: {  	[sflag:s8] =	ssyncset.done $0x0  }
0xc0: {  	[sflag:s8] =	ssyncadd.s32 $0xFFFFF800  }
0xc1: {  	_ =	swait.ge [sflag:s8], $0x800  }
0xc2: {  	[sflag:s8] =	ssyncset.done $0x0  }
0xc3: {  	[sflag:s8] =	ssyncadd.s32 $0xFFFFF800  }
0xc4: {  	_ =	swait.ge [sflag:s8], $0x800  }
0xc5: {  	[sflag:s8] =	ssyncset.done $0x0  }
0xc6: {  	[sflag:s8] =	ssyncadd.s32 $0xFFFFF800  }
0xc7: {  	_ =	swait.ge [sflag:s8], $0x800  }
0xc8: {  	[sflag:s8] =	ssyncset.done $0x0  }
0xc9: {  	[sflag:s8] =	ssyncadd.s32 $0xFFFFF800  }
0xca: {  	_ =	swait.ge [sflag:s8], $0x800  }
0xcb: {  	[sflag:s8] =	ssyncset.done $0x0  }
0xcc: {  	[sflag:s8] =	ssyncadd.s32 $0xFFFFF800  }
0xcd: {  	_ =	swait.ge [sflag:s8], $0x800  }
0xce: {  	[sflag:s8] =	ssyncset.done $0x0  }
0xcf: {  	[sflag:s8] =	ssyncadd.s32 $0xFFFFF800  }
0xd0: {  	_ =	swait.ge [sflag:s8], $0x800  }
0xd1: {  	s24 =	sld [smem:$0x7F2]  }
0xd2: {  	[sflag:s8] =	ssyncset.done $0x0  }
0xd3: {  	s25 =	sld [smem:$0x7F3];
	[sflag:s8] =	ssyncadd.s32 $0xFFFFF800  }
0xd4: {  	[tilespmem:s24], [sflag:$0x1] =	stream.indirect.gather [hbm4b:s4+s7], $0x10, s16, s7, $0xb8;
	[tilespmem:$0xC500] =	vst v63  }
0xd5: {  	s24 =	sld [smem:$0x7F4]  }
0xd6: {  	[tilespmem:s25], [sflag:$0x1] =	stream.indirect.gather [hbm4b:s4+s7], $0x10, s17, s7, $0xb8;
	[tilespmem:$0xC500] =	vst v63  }
0xd7: {  	s25 =	sld [smem:$0x7F5]  }
0xd8: {  	[tilespmem:s24], [sflag:$0x1] =	stream.indirect.gather [hbm4b:s4+s7], $0x10, s18, s7, $0xb8;
	[tilespmem:$0xC500] =	vst v63  }
0xd9: {  	s24 =	sld [smem:$0x7F6]  }
0xda: {  	[tilespmem:s25], [sflag:$0x1] =	stream.indirect.gather [hbm4b:s4+s7], $0x10, s21, s7, $0xb8;
	[tilespmem:$0xC500] =	vst v63  }
0xdb: {  	s25 =	sld [smem:$0x7F7]  }
0xdc: {  	[tilespmem:s24], [sflag:$0x1] =	stream.indirect.gather [hbm4b:s4+s7], $0x10, s19, s7, $0xb8;
	[tilespmem:$0xC500] =	vst v63  }
0xdd: {  	s24 =	sld [smem:$0x7F8]  }
0xde: {  	[tilespmem:s25], [sflag:$0x1] =	stream.indirect.gather [hbm4b:s4+s7], $0x10, s20, s7, $0xb8;
	[tilespmem:$0xC500] =	vst v63  }
0xdf: {  	s25 =	sld [smem:$0x7F9]  }
0xe0: {  	[tilespmem:s24], [sflag:$0x1] =	stream.indirect.gather [hbm4b:s4+s7], $0x10, s22, s7, $0xb8;
	[tilespmem:$0xC500] =	vst v63  }
0xe1: {  	_ = 	snop  }
0xe2: {  	[tilespmem:s25], [sflag:$0x1] =	stream.indirect.gather [hbm4b:s4+s7], $0x10, s23, s7, $0xb8;
	[tilespmem:$0xC500] =	vst v63  }
0xe3: {  	_ =	swait.ge [sflag:s8], $0x800  }
0xe4: {  	[sflag:s8] =	ssyncset.done $0x0  }
0xe5: {  	[sflag:s8] =	ssyncadd.s32 $0xFFFFF800  }
0xe6: {  	_ =	swait.ge [sflag:s8], $0x800  }
0xe7: {  	[sflag:s8] =	ssyncset.done $0x0  }
0xe8: {  	[sflag:s8] =	ssyncadd.s32 $0xFFFFF800  }
0xe9: {  	_ =	swait.ge [sflag:s8], $0x800  }
0xea: {  	[sflag:s8] =	ssyncset.done $0x0  }
0xeb: {  	[sflag:s8] =	ssyncadd.s32 $0xFFFFF800  }
0xec: {  	_ =	swait.ge [sflag:s8], $0x800  }
0xed: {  	[sflag:s8] =	ssyncset.done $0x0  }
0xee: {  	[sflag:s8] =	ssyncadd.s32 $0xFFFFF800  }
0xef: {  	_ =	swait.ge [sflag:s8], $0x800  }
0xf0: {  	[sflag:s8] =	ssyncset.done $0x0  }
0xf1: {  	[sflag:s8] =	ssyncadd.s32 $0xFFFFF800  }
0xf2: {  	_ =	swait.ge [sflag:s8], $0x800  }
0xf3: {  	[sflag:s8] =	ssyncset.done $0x0  }
0xf4: {  	[sflag:s8] =	ssyncadd.s32 $0xFFFFF800  }
0xf5: {  	_ =	swait.ge [sflag:s8], $0x800  }
0xf6: {  	[sflag:s8] =	ssyncset.done $0x0  }
0xf7: {  	[sflag:s8] =	ssyncadd.s32 $0xFFFFF800  }
0xf8: {  	_ =	swait.ge [sflag:s8], $0x800  }
0xf9: {  	s5 =	sld [smem:$0x7FA]  }
0xfa: {  	[sflag:s8] =	ssyncset.done $0x0  }
0xfb: {  	s24 =	sld [smem:$0x7FB];
	[sflag:s8] =	ssyncadd.s32 $0xFFFFF800  }
0xfc: {  	[tilespmem:s5], [sflag:$0x1] =	stream.indirect.gather [hbm4b:s4+s7], $0x10, s15, s7, $0xb8;
	[tilespmem:$0xC500] =	vst v63  }
0xfd: {  	s25 =	sld [smem:$0x7FC]  }
0xfe: {  	[tilespmem:s24], [sflag:$0x1] =	stream.indirect.gather [hbm4b:s4+s7], $0x10, s13, s7, $0xb8;
	[tilespmem:$0xC500] =	vst v63  }
0xff: {  	s24 =	sld [smem:$0x7FD]  }
0x100: {  	[tilespmem:s25], [sflag:$0x1] =	stream.indirect.gather [hbm4b:s4+s7], $0x10, s11, s7, $0xb8;
	[tilespmem:$0xC500] =	vst v63  }
0x101: {  	_ = 	snop  }
0x102: {  	[tilespmem:s24], [sflag:$0x1] =	stream.indirect.gather [hbm4b:s4+s7], $0x10, s12, s7, $0xb8;
	[tilespmem:$0xC500] =	vst v63  }
0x103: {  	_ =	swait.ge [sflag:s8], $0x800  }
0x104: {  	[sflag:s8] =	ssyncset.done $0x0  }
0x105: {  	[sflag:s8] =	ssyncadd.s32 $0xFFFFF800  }
0x106: {  	_ =	swait.ge [sflag:s8], $0x800  }
0x107: {  	[sflag:s8] =	ssyncset.done $0x0  }
0x108: {  	[sflag:s8] =	ssyncadd.s32 $0xFFFFF800  }
0x109: {  	_ =	swait.ge [sflag:s8], $0x800  }
0x10a: {  	[sflag:s8] =	ssyncset.done $0x0  }
0x10b: {  	[sflag:s8] =	ssyncadd.s32 $0xFFFFF800  }
0x10c: {  	_ =	swait.ge [sflag:s8], $0x800  }
0x10d: {  	[sflag:s8] =	ssyncset.done $0x0  }
0x10e: {  	s25 =	rddreg [dreg:$0xa];
	[sflag:s8] =	ssyncadd.s32 $0xFFFFF800  }
0x10f: {  	[hbm4b:s25+s2] =	stream.linear.scatter [tilespmem:s10], [sflag:$0x2], $0xA000, $0x38;
	[tilespmem:$0xC500] =	vst v63  }
0x110: {  	_ =	swait.ge [sflag:s3], $0xA000  }
0x111: {  	[sflag:s3] =	ssyncset.done $0x0  }
0x112: {  	s24 =	simm.s32 $0x1500;
	s5 =	rddreg [dreg:$0xb];
	[sflag:s3] =	ssyncadd.s32 $0xFFFF6000  }
0x113: {  	[hbm4b:s5+s2] =	stream.linear.scatter [tilespmem:s24], [sflag:$0x2], $0x800, $0x38;
	[tilespmem:$0xC500] =	vst v63  }
0x114: {  	p1 =	sne.s32 s9, $0x1;
	_ =	swait.ge [sflag:s3], $0x800  }
.Ltmp1:
0x115: {  	[sflag:s3] =	ssyncset.done $0x0;
	(pc) =	sbr.rel @!p1 .LBB2_4-.Ltmp1, $4  }
0x116: {  	s25 =	rddreg [dreg:$0xc];
	[sflag:s3] =	ssyncadd.s32 $0xFFFFF800  }
0x117: {  	[hbm4b:s25+s2] =	stream.linear.scatter [tilespmem:s6], [sflag:$0x2], $0x800, $0x38;
	[tilespmem:$0xC500] =	vst v63  }
0x118: {  	p0 =	por $0x1, $0x1;
	_ =	swait.ge [sflag:s3], $0x800  }
0x119: {  	s1 =	sadd.s32 $0xFFFFFFFF, s9;
	s5 =	rddreg [dreg:$0x7];
	[sflag:s3] =	ssyncset.done $0x0  }
0x11a: {  	s9 =	simm.s32 $0x1500;
	s25 =	simm.s32 $0xB00  }
.LBB2_3:
0x11b: {  	[sflag:s3] =	ssyncadd.s32 $0xFFFFF800  }
0x11c: {  	[tilespmem:s2], [sflag:$0x2] =	stream.linear.gather [hbm4b:s5+s2], $0x80, $0x38;
	[tilespmem:$0xC500] =	vst v63  }
0x11d: {  	_ =	swait.ge [sflag:s3], $0x80  }
0x11e: {  	[sflag:s3] =	ssyncset.done $0x0  }
0x11f: {  	s24 =	rddreg [dreg:$0x8];
	[sflag:s3] =	ssyncadd.s32 $0xFFFFFF80  }
0x120: {  	[tilespmem:s7], [sflag:$0x2] =	stream.linear.gather [hbm4b:s24+s2], $0x80, $0x38;
	[tilespmem:$0xC500] =	vst v63  }
0x121: {  	_ =	swait.ge [sflag:s3], $0x80  }
0x122: {  	[sflag:s3] =	ssyncset.done $0x0  }
0x123: {  	s24 =	simm.s32 $0x100;
	s5 =	rddreg [dreg:$0x9];
	[sflag:s3] =	ssyncadd.s32 $0xFFFFFF80  }
0x124: {  	[tilespmem:s24], [sflag:$0x2] =	stream.linear.gather [hbm4b:s5+s2], $0xA00, $0x38;
	[tilespmem:$0xC500] =	vst v63  }
0x125: {  	_ =	swait.ge [sflag:s3], $0xA00  }
0x126: {  	[sflag:s3] =	ssyncset.done $0x0  }
0x127: {  	s5 =	rddreg [dreg:$0x6];
	[sflag:s3] =	ssyncadd.s32 $0xFFFFF600  }
0x128: {  	[tilespmem:s9], [sflag:$0x1] =	stream.indirect.gather [hbm4b:s5+s7], $0x10, s2, s7, $0xb8;
	[tilespmem:$0xC500] =	vst v63  }
0x129: {  	_ = 	snop  }
0x12a: {  	[tilespmem:s6], [sflag:$0x1] =	stream.indirect.gather [hbm4b:s4+s7], $0x10, s7, s7, $0xb8;
	[tilespmem:$0xC500] =	vst v63  }
0x12b: {  	_ = 	snop  }
0x12c: {  	[tilespmem:s25], [sflag:$0x1] =	stream.indirect.gather [hbm4b:s14+s7], $0x1, s24, s7, $0xb8;
	[tilespmem:$0xC500] =	vst v63  }
0x12d: {  	s5 =	rddreg [dreg:$0xd];
	s24 =	simm.s32 $0xB80  }
0x12e: {  	[tilespmem:s24], [sflag:$0x1] =	stream.indirect.gather [hbm4b:s14+s7], $0x1, s5, s7, $0xb8;
	[tilespmem:$0xC500] =	vst v63  }
0x12f: {  	s6 =	rddreg [dreg:$0xe]  }
0x130: {  	[tilespmem:s26], [sflag:$0x1] =	stream.indirect.gather [hbm4b:s14+s7], $0x1, s6, s7, $0xb8;
	[tilespmem:$0xC500] =	vst v63  }
0x131: {  	s5 =	rddreg [dreg:$0xf]  }
0x132: {  	[tilespmem:s28], [sflag:$0x1] =	stream.indirect.gather [hbm4b:s14+s7], $0x1, s5, s7, $0xb8;
	[tilespmem:$0xC500] =	vst v63  }
0x133: {  	s6 =	rddreg [dreg:$0x10]  }
0x134: {  	[tilespmem:s29], [sflag:$0x1] =	stream.indirect.gather [hbm4b:s14+s7], $0x1, s6, s7, $0xb8;
	[tilespmem:$0xC500] =	vst v63  }
0x135: {  	s5 =	rddreg [dreg:$0x11]  }
0x136: {  	[tilespmem:s30], [sflag:$0x1] =	stream.indirect.gather [hbm4b:s14+s7], $0x1, s5, s7, $0xb8;
	[tilespmem:$0xC500] =	vst v63  }
0x137: {  	_ =	swait.ge [sflag:s8], $0x800  }
0x138: {  	[sflag:s8] =	ssyncset.done $0x0  }
0x139: {  	[sflag:s8] =	ssyncadd.s32 $0xFFFFF800  }
0x13a: {  	_ =	swait.ge [sflag:s8], $0x800  }
0x13b: {  	[sflag:s8] =	ssyncset.done $0x0  }
0x13c: {  	[sflag:s8] =	ssyncadd.s32 $0xFFFFF800  }
0x13d: {  	_ =	swait.ge [sflag:s8], $0x80  }
0x13e: {  	[sflag:s8] =	ssyncset.done $0x0  }
0x13f: {  	[sflag:s8] =	ssyncadd.s32 $0xFFFFFF80  }
0x140: {  	_ =	swait.ge [sflag:s8], $0x80  }
0x141: {  	[sflag:s8] =	ssyncset.done $0x0  }
0x142: {  	[sflag:s8] =	ssyncadd.s32 $0xFFFFFF80  }
0x143: {  	_ =	swait.ge [sflag:s8], $0x80  }
0x144: {  	[sflag:s8] =	ssyncset.done $0x0  }
0x145: {  	[sflag:s8] =	ssyncadd.s32 $0xFFFFFF80  }
0x146: {  	_ =	swait.ge [sflag:s8], $0x80  }
0x147: {  	[sflag:s8] =	ssyncset.done $0x0  }
0x148: {  	[sflag:s8] =	ssyncadd.s32 $0xFFFFFF80  }
0x149: {  	_ =	swait.ge [sflag:s8], $0x80  }
0x14a: {  	[sflag:s8] =	ssyncset.done $0x0  }
0x14b: {  	[sflag:s8] =	ssyncadd.s32 $0xFFFFFF80  }
0x14c: {  	_ =	swait.ge [sflag:s8], $0x80  }
0x14d: {  	[sflag:s8] =	ssyncset.done $0x0  }
0x14e: {  	s5 =	rddreg [dreg:$0x12];
	[sflag:s8] =	ssyncadd.s32 $0xFFFFFF80  }
0x14f: {  	[tilespmem:s31], [sflag:$0x1] =	stream.indirect.gather [hbm4b:s14+s7], $0x1, s5, s7, $0xb8;
	[tilespmem:$0xC500] =	vst v63  }
0x150: {  	s6 =	rddreg [dreg:$0x13]  }
0x151: {  	[tilespmem:s0], [sflag:$0x1] =	stream.indirect.gather [hbm4b:s14+s7], $0x1, s6, s7, $0xb8;
	[tilespmem:$0xC500] =	vst v63  }
0x152: {  	s5 =	rddreg [dreg:$0x14]  }
0x153: {  	[tilespmem:s16], [sflag:$0x1] =	stream.indirect.gather [hbm4b:s14+s7], $0x1, s5, s7, $0xb8;
	[tilespmem:$0xC500] =	vst v63  }
0x154: {  	s6 =	rddreg [dreg:$0x15]  }
0x155: {  	[tilespmem:s17], [sflag:$0x1] =	stream.indirect.gather [hbm4b:s14+s7], $0x1, s6, s7, $0xb8;
	[tilespmem:$0xC500] =	vst v63  }
0x156: {  	s5 =	rddreg [dreg:$0x16]  }
0x157: {  	[tilespmem:s18], [sflag:$0x1] =	stream.indirect.gather [hbm4b:s14+s7], $0x1, s5, s7, $0xb8;
	[tilespmem:$0xC500] =	vst v63  }
0x158: {  	s6 =	rddreg [dreg:$0x17]  }
0x159: {  	[tilespmem:s21], [sflag:$0x1] =	stream.indirect.gather [hbm4b:s14+s7], $0x1, s6, s7, $0xb8;
	[tilespmem:$0xC500] =	vst v63  }
0x15a: {  	s5 =	rddreg [dreg:$0x18]  }
0x15b: {  	[tilespmem:s19], [sflag:$0x1] =	stream.indirect.gather [hbm4b:s14+s7], $0x1, s5, s7, $0xb8;
	[tilespmem:$0xC500] =	vst v63  }
0x15c: {  	s6 =	rddreg [dreg:$0x19]  }
0x15d: {  	[tilespmem:s20], [sflag:$0x1] =	stream.indirect.gather [hbm4b:s14+s7], $0x1, s6, s7, $0xb8;
	[tilespmem:$0xC500] =	vst v63  }
0x15e: {  	_ =	swait.ge [sflag:s8], $0x80  }
0x15f: {  	[sflag:s8] =	ssyncset.done $0x0  }
0x160: {  	[sflag:s8] =	ssyncadd.s32 $0xFFFFFF80  }
0x161: {  	_ =	swait.ge [sflag:s8], $0x80  }
0x162: {  	[sflag:s8] =	ssyncset.done $0x0  }
0x163: {  	[sflag:s8] =	ssyncadd.s32 $0xFFFFFF80  }
0x164: {  	_ =	swait.ge [sflag:s8], $0x80  }
0x165: {  	[sflag:s8] =	ssyncset.done $0x0  }
0x166: {  	[sflag:s8] =	ssyncadd.s32 $0xFFFFFF80  }
0x167: {  	_ =	swait.ge [sflag:s8], $0x80  }
0x168: {  	[sflag:s8] =	ssyncset.done $0x0  }
0x169: {  	[sflag:s8] =	ssyncadd.s32 $0xFFFFFF80  }
0x16a: {  	_ =	swait.ge [sflag:s8], $0x80  }
0x16b: {  	[sflag:s8] =	ssyncset.done $0x0  }
0x16c: {  	[sflag:s8] =	ssyncadd.s32 $0xFFFFFF80  }
0x16d: {  	_ =	swait.ge [sflag:s8], $0x80  }
0x16e: {  	[sflag:s8] =	ssyncset.done $0x0  }
0x16f: {  	[sflag:s8] =	ssyncadd.s32 $0xFFFFFF80  }
0x170: {  	_ =	swait.ge [sflag:s8], $0x80  }
0x171: {  	[sflag:s8] =	ssyncset.done $0x0  }
0x172: {  	[sflag:s8] =	ssyncadd.s32 $0xFFFFFF80  }
0x173: {  	_ =	swait.ge [sflag:s8], $0x80  }
0x174: {  	[sflag:s8] =	ssyncset.done $0x0  }
0x175: {  	s5 =	rddreg [dreg:$0x1a];
	[sflag:s8] =	ssyncadd.s32 $0xFFFFFF80  }
0x176: {  	[tilespmem:s22], [sflag:$0x1] =	stream.indirect.gather [hbm4b:s14+s7], $0x1, s5, s7, $0xb8;
	[tilespmem:$0xC500] =	vst v63  }
0x177: {  	s6 =	rddreg [dreg:$0x1b]  }
0x178: {  	[tilespmem:s23], [sflag:$0x1] =	stream.indirect.gather [hbm4b:s14+s7], $0x1, s6, s7, $0xb8;
	[tilespmem:$0xC500] =	vst v63  }
0x179: {  	s5 =	rddreg [dreg:$0x1c]  }
0x17a: {  	[tilespmem:s15], [sflag:$0x1] =	stream.indirect.gather [hbm4b:s14+s7], $0x1, s5, s7, $0xb8;
	[tilespmem:$0xC500] =	vst v63  }
0x17b: {  	s6 =	rddreg [dreg:$0x1d]  }
0x17c: {  	[tilespmem:s13], [sflag:$0x1] =	stream.indirect.gather [hbm4b:s14+s7], $0x1, s6, s7, $0xb8;
	[tilespmem:$0xC500] =	vst v63  }
0x17d: {  	s5 =	rddreg [dreg:$0x1e]  }
0x17e: {  	[tilespmem:s11], [sflag:$0x1] =	stream.indirect.gather [hbm4b:s14+s7], $0x1, s5, s7, $0xb8;
	[tilespmem:$0xC500] =	vst v63  }
0x17f: {  	s6 =	rddreg [dreg:$0x1f]  }
0x180: {  	[tilespmem:s12], [sflag:$0x1] =	stream.indirect.gather [hbm4b:s14+s7], $0x1, s6, s7, $0xb8;
	[tilespmem:$0xC500] =	vst v63  }
0x181: {  	_ =	swait.ge [sflag:s8], $0x80  }
0x182: {  	[sflag:s8] =	ssyncset.done $0x0  }
0x183: {  	[sflag:s8] =	ssyncadd.s32 $0xFFFFFF80  }
0x184: {  	_ =	swait.ge [sflag:s8], $0x80  }
0x185: {  	[sflag:s8] =	ssyncset.done $0x0  }
0x186: {  	[sflag:s8] =	ssyncadd.s32 $0xFFFFFF80  }
0x187: {  	_ =	swait.ge [sflag:s8], $0x80  }
0x188: {  	[sflag:s8] =	ssyncset.done $0x0  }
0x189: {  	[sflag:s8] =	ssyncadd.s32 $0xFFFFFF80  }
0x18a: {  	_ =	swait.ge [sflag:s8], $0x80  }
0x18b: {  	[sflag:s8] =	ssyncset.done $0x0  }
0x18c: {  	[sflag:s8] =	ssyncadd.s32 $0xFFFFFF80  }
0x18d: {  	_ =	swait.ge [sflag:s8], $0x80  }
0x18e: {  	[sflag:s8] =	ssyncset.done $0x0  }
0x18f: {  	[sflag:s8] =	ssyncadd.s32 $0xFFFFFF80  }
0x190: {  	_ =	swait.ge [sflag:s8], $0x80  }
0x191: {  	[sflag:s8] =	ssyncset.done $0x0  }
0x192: {  	s5 =	sld [smem:$0x7EB];
	[sflag:s8] =	ssyncadd.s32 $0xFFFFFF80  }
0x193: {  	[tilespmem:s10], [sflag:$0x1] =	stream.indirect.gather [hbm4b:s4+s7], $0x10, s25, s7, $0xb8;
	[tilespmem:$0xC500] =	vst v63  }
0x194: {  	s6 =	sld [smem:$0x7EC]  }
0x195: {  	[tilespmem:s5], [sflag:$0x1] =	stream.indirect.gather [hbm4b:s4+s7], $0x10, s24, s7, $0xb8;
	[tilespmem:$0xC500] =	vst v63  }
0x196: {  	s24 =	sld [smem:$0x7ED]  }
0x197: {  	[tilespmem:s6], [sflag:$0x1] =	stream.indirect.gather [hbm4b:s4+s7], $0x10, s26, s7, $0xb8;
	[tilespmem:$0xC500] =	vst v63  }
0x198: {  	s6 =	sld [smem:$0x7EE]  }
0x199: {  	[tilespmem:s24], [sflag:$0x1] =	stream.indirect.gather [hbm4b:s4+s7], $0x10, s28, s7, $0xb8;
	[tilespmem:$0xC500] =	vst v63  }
0x19a: {  	s24 =	sld [smem:$0x7EF]  }
0x19b: {  	[tilespmem:s6], [sflag:$0x1] =	stream.indirect.gather [hbm4b:s4+s7], $0x10, s29, s7, $0xb8;
	[tilespmem:$0xC500] =	vst v63  }
0x19c: {  	s6 =	sld [smem:$0x7F0]  }
0x19d: {  	[tilespmem:s24], [sflag:$0x1] =	stream.indirect.gather [hbm4b:s4+s7], $0x10, s30, s7, $0xb8;
	[tilespmem:$0xC500] =	vst v63  }
0x19e: {  	s24 =	sld [smem:$0x7F1]  }
0x19f: {  	[tilespmem:s6], [sflag:$0x1] =	stream.indirect.gather [hbm4b:s4+s7], $0x10, s31, s7, $0xb8;
	[tilespmem:$0xC500] =	vst v63  }
0x1a0: {  	_ = 	snop  }
0x1a1: {  	[tilespmem:s24], [sflag:$0x1] =	stream.indirect.gather [hbm4b:s4+s7], $0x10, s0, s7, $0xb8;
	[tilespmem:$0xC500] =	vst v63  }
0x1a2: {  	_ =	swait.ge [sflag:s8], $0x800  }
0x1a3: {  	[sflag:s8] =	ssyncset.done $0x0  }
0x1a4: {  	[sflag:s8] =	ssyncadd.s32 $0xFFFFF800  }
0x1a5: {  	_ =	swait.ge [sflag:s8], $0x800  }
0x1a6: {  	[sflag:s8] =	ssyncset.done $0x0  }
0x1a7: {  	[sflag:s8] =	ssyncadd.s32 $0xFFFFF800  }
0x1a8: {  	_ =	swait.ge [sflag:s8], $0x800  }
0x1a9: {  	[sflag:s8] =	ssyncset.done $0x0  }
0x1aa: {  	[sflag:s8] =	ssyncadd.s32 $0xFFFFF800  }
0x1ab: {  	_ =	swait.ge [sflag:s8], $0x800  }
0x1ac: {  	[sflag:s8] =	ssyncset.done $0x0  }
0x1ad: {  	[sflag:s8] =	ssyncadd.s32 $0xFFFFF800  }
0x1ae: {  	_ =	swait.ge [sflag:s8], $0x800  }
0x1af: {  	[sflag:s8] =	ssyncset.done $0x0  }
0x1b0: {  	[sflag:s8] =	ssyncadd.s32 $0xFFFFF800  }
0x1b1: {  	_ =	swait.ge [sflag:s8], $0x800  }
0x1b2: {  	[sflag:s8] =	ssyncset.done $0x0  }
0x1b3: {  	[sflag:s8] =	ssyncadd.s32 $0xFFFFF800  }
0x1b4: {  	_ =	swait.ge [sflag:s8], $0x800  }
0x1b5: {  	[sflag:s8] =	ssyncset.done $0x0  }
0x1b6: {  	[sflag:s8] =	ssyncadd.s32 $0xFFFFF800  }
0x1b7: {  	_ =	swait.ge [sflag:s8], $0x800  }
0x1b8: {  	s6 =	sld [smem:$0x7F2]  }
0x1b9: {  	[sflag:s8] =	ssyncset.done $0x0  }
0x1ba: {  	s24 =	sld [smem:$0x7F3];
	[sflag:s8] =	ssyncadd.s32 $0xFFFFF800  }
0x1bb: {  	[tilespmem:s6], [sflag:$0x1] =	stream.indirect.gather [hbm4b:s4+s7], $0x10, s16, s7, $0xb8;
	[tilespmem:$0xC500] =	vst v63  }
0x1bc: {  	s5 =	sld [smem:$0x7F4]  }
0x1bd: {  	[tilespmem:s24], [sflag:$0x1] =	stream.indirect.gather [hbm4b:s4+s7], $0x10, s17, s7, $0xb8;
	[tilespmem:$0xC500] =	vst v63  }
0x1be: {  	s24 =	sld [smem:$0x7F5]  }
0x1bf: {  	[tilespmem:s5], [sflag:$0x1] =	stream.indirect.gather [hbm4b:s4+s7], $0x10, s18, s7, $0xb8;
	[tilespmem:$0xC500] =	vst v63  }
0x1c0: {  	s5 =	sld [smem:$0x7F6]  }
0x1c1: {  	[tilespmem:s24], [sflag:$0x1] =	stream.indirect.gather [hbm4b:s4+s7], $0x10, s21, s7, $0xb8;
	[tilespmem:$0xC500] =	vst v63  }
0x1c2: {  	s24 =	sld [smem:$0x7F7]  }
0x1c3: {  	[tilespmem:s5], [sflag:$0x1] =	stream.indirect.gather [hbm4b:s4+s7], $0x10, s19, s7, $0xb8;
	[tilespmem:$0xC500] =	vst v63  }
0x1c4: {  	s5 =	sld [smem:$0x7F8]  }
0x1c5: {  	[tilespmem:s24], [sflag:$0x1] =	stream.indirect.gather [hbm4b:s4+s7], $0x10, s20, s7, $0xb8;
	[tilespmem:$0xC500] =	vst v63  }
0x1c6: {  	s24 =	sld [smem:$0x7F9]  }
0x1c7: {  	[tilespmem:s5], [sflag:$0x1] =	stream.indirect.gather [hbm4b:s4+s7], $0x10, s22, s7, $0xb8;
	[tilespmem:$0xC500] =	vst v63  }
0x1c8: {  	_ = 	snop  }
0x1c9: {  	[tilespmem:s24], [sflag:$0x1] =	stream.indirect.gather [hbm4b:s4+s7], $0x10, s23, s7, $0xb8;
	[tilespmem:$0xC500] =	vst v63  }
0x1ca: {  	_ =	swait.ge [sflag:s8], $0x800  }
0x1cb: {  	[sflag:s8] =	ssyncset.done $0x0  }
0x1cc: {  	[sflag:s8] =	ssyncadd.s32 $0xFFFFF800  }
0x1cd: {  	_ =	swait.ge [sflag:s8], $0x800  }
0x1ce: {  	[sflag:s8] =	ssyncset.done $0x0  }
0x1cf: {  	[sflag:s8] =	ssyncadd.s32 $0xFFFFF800  }
0x1d0: {  	_ =	swait.ge [sflag:s8], $0x800  }
0x1d1: {  	[sflag:s8] =	ssyncset.done $0x0  }
0x1d2: {  	[sflag:s8] =	ssyncadd.s32 $0xFFFFF800  }
0x1d3: {  	_ =	swait.ge [sflag:s8], $0x800  }
0x1d4: {  	[sflag:s8] =	ssyncset.done $0x0  }
0x1d5: {  	[sflag:s8] =	ssyncadd.s32 $0xFFFFF800  }
0x1d6: {  	_ =	swait.ge [sflag:s8], $0x800  }
0x1d7: {  	[sflag:s8] =	ssyncset.done $0x0  }
0x1d8: {  	[sflag:s8] =	ssyncadd.s32 $0xFFFFF800  }
0x1d9: {  	_ =	swait.ge [sflag:s8], $0x800  }
0x1da: {  	[sflag:s8] =	ssyncset.done $0x0  }
0x1db: {  	[sflag:s8] =	ssyncadd.s32 $0xFFFFF800  }
0x1dc: {  	_ =	swait.ge [sflag:s8], $0x800  }
0x1dd: {  	[sflag:s8] =	ssyncset.done $0x0  }
0x1de: {  	[sflag:s8] =	ssyncadd.s32 $0xFFFFF800  }
0x1df: {  	_ =	swait.ge [sflag:s8], $0x800  }
0x1e0: {  	s6 =	sld [smem:$0x7FA]  }
0x1e1: {  	[sflag:s8] =	ssyncset.done $0x0  }
0x1e2: {  	s24 =	sld [smem:$0x7FB];
	[sflag:s8] =	ssyncadd.s32 $0xFFFFF800  }
0x1e3: {  	[tilespmem:s6], [sflag:$0x1] =	stream.indirect.gather [hbm4b:s4+s7], $0x10, s15, s7, $0xb8;
	[tilespmem:$0xC500] =	vst v63  }
0x1e4: {  	s5 =	sld [smem:$0x7FC]  }
0x1e5: {  	[tilespmem:s24], [sflag:$0x1] =	stream.indirect.gather [hbm4b:s4+s7], $0x10, s13, s7, $0xb8;
	[tilespmem:$0xC500] =	vst v63  }
0x1e6: {  	s24 =	sld [smem:$0x7FD]  }
0x1e7: {  	[tilespmem:s5], [sflag:$0x1] =	stream.indirect.gather [hbm4b:s4+s7], $0x10, s11, s7, $0xb8;
	[tilespmem:$0xC500] =	vst v63  }
0x1e8: {  	_ = 	snop  }
0x1e9: {  	[tilespmem:s24], [sflag:$0x1] =	stream.indirect.gather [hbm4b:s4+s7], $0x10, s12, s7, $0xb8;
	[tilespmem:$0xC500] =	vst v63  }
0x1ea: {  	_ =	swait.ge [sflag:s8], $0x800  }
0x1eb: {  	[sflag:s8] =	ssyncset.done $0x0  }
0x1ec: {  	[sflag:s8] =	ssyncadd.s32 $0xFFFFF800  }
0x1ed: {  	_ =	swait.ge [sflag:s8], $0x800  }
0x1ee: {  	[sflag:s8] =	ssyncset.done $0x0  }
0x1ef: {  	[sflag:s8] =	ssyncadd.s32 $0xFFFFF800  }
0x1f0: {  	_ =	swait.ge [sflag:s8], $0x800  }
0x1f1: {  	[sflag:s8] =	ssyncset.done $0x0  }
0x1f2: {  	[sflag:s8] =	ssyncadd.s32 $0xFFFFF800  }
0x1f3: {  	_ =	swait.ge [sflag:s8], $0x800  }
0x1f4: {  	[sflag:s8] =	ssyncset.done $0x0  }
0x1f5: {  	s24 =	rddreg [dreg:$0xa];
	[sflag:s8] =	ssyncadd.s32 $0xFFFFF800  }
0x1f6: {  	[hbm4b:s24+s2] =	stream.linear.scatter [tilespmem:s10], [sflag:$0x2], $0xA000, $0x38;
	[tilespmem:$0xC500] =	vst v63  }
0x1f7: {  	_ =	swait.ge [sflag:s3], $0xA000  }
0x1f8: {  	[sflag:s3] =	ssyncset.done $0x0  }
0x1f9: {  	s24 =	rddreg [dreg:$0xb];
	[sflag:s3] =	ssyncadd.s32 $0xFFFF6000  }
0x1fa: {  	[hbm4b:s24+s2] =	stream.linear.scatter [tilespmem:s9], [sflag:$0x2], $0x800, $0x38;
	[tilespmem:$0xC500] =	vst v63  }
0x1fb: {  	p1 =	sne.s32 s1, $0x1;
	_ =	swait.ge [sflag:s3], $0x800  }
.Ltmp2:
0x1fc: {  	[sflag:s3] =	ssyncset.done $0x0;
	(pc) =	sbr.rel @p1 .LBB2_3-.Ltmp2, $4  }
0x1fd: {  	s6 =	simm.s32 $0x1D00;
	s24 =	rddreg [dreg:$0xc];
	[sflag:s3] =	ssyncadd.s32 $0xFFFFF800  }
0x1fe: {  	[hbm4b:s24+s2] =	stream.linear.scatter [tilespmem:s6], [sflag:$0x2], $0x800, $0x38;
	[tilespmem:$0xC500] =	vst v63  }
0x1ff: {  	_ =	swait.ge [sflag:s3], $0x800  }
0x200: {  	s1 =	sadd.s32 $0xFFFFFFFF, s1;
	s5 =	rddreg [dreg:$0x7];
	[sflag:s3] =	ssyncset.done $0x0  }
.LBB2_4:
0x201: {  	[sflag:s3] =	ssyncadd.s32 @p0 $0xFFFFF800  }
0x202: {  	[tilespmem:s2], [sflag:$0x2] =	stream.linear.gather [hbm4b:s5+s2], $0x80, $0x38;
	[tilespmem:$0xC500] =	vst v63  }
0x203: {  	_ =	swait.ge [sflag:s3], $0x80  }
0x204: {  	[sflag:s3] =	ssyncset.done $0x0  }
0x205: {  	s1 =	rddreg [dreg:$0x8];
	[sflag:s3] =	ssyncadd.s32 $0xFFFFFF80  }
0x206: {  	[tilespmem:s7], [sflag:$0x2] =	stream.linear.gather [hbm4b:s1+s2], $0x80, $0x38;
	[tilespmem:$0xC500] =	vst v63  }
0x207: {  	_ =	swait.ge [sflag:s3], $0x80  }
0x208: {  	[sflag:s3] =	ssyncset.done $0x0  }
0x209: {  	s0 =	simm.s32 $0x100;
	s10 =	rddreg [dreg:$0x9];
	[sflag:s3] =	ssyncadd.s32 $0xFFFFFF80  }
0x20a: {  	[tilespmem:s0], [sflag:$0x2] =	stream.linear.gather [hbm4b:s10+s2], $0xA00, $0x38;
	[tilespmem:$0xC500] =	vst v63  }
0x20b: {  	_ =	swait.ge [sflag:s3], $0xA00  }
0x20c: {  	[sflag:s3] =	ssyncset.done $0x0  }
0x20d: {  	s5 =	simm.s32 $0x1500;
	s11 =	rddreg [dreg:$0x6];
	[sflag:s3] =	ssyncadd.s32 $0xFFFFF600  }
0x20e: {  	[tilespmem:s5], [sflag:$0x1] =	stream.indirect.gather [hbm4b:s11+s7], $0x10, s2, s7, $0xb8;
	[tilespmem:$0xC500] =	vst v63  }
0x20f: {  	_ = 	snop  }
0x210: {  	[tilespmem:s6], [sflag:$0x1] =	stream.indirect.gather [hbm4b:s4+s7], $0x10, s7, s7, $0xb8;
	[tilespmem:$0xC500] =	vst v63  }
0x211: {  	s23 =	simm.s32 $0xB00  }
0x212: {  	[tilespmem:s23], [sflag:$0x1] =	stream.indirect.gather [hbm4b:s14+s7], $0x1, s0, s7, $0xb8;
	[tilespmem:$0xC500] =	vst v63  }
0x213: {  	s24 =	simm.s32 $0xB80;
	s12 =	rddreg [dreg:$0xd]  }
0x214: {  	[tilespmem:s24], [sflag:$0x1] =	stream.indirect.gather [hbm4b:s14+s7], $0x1, s12, s7, $0xb8;
	[tilespmem:$0xC500] =	vst v63  }
0x215: {  	s25 =	simm.s32 $0xC00;
	s13 =	rddreg [dreg:$0xe]  }
0x216: {  	[tilespmem:s25], [sflag:$0x1] =	stream.indirect.gather [hbm4b:s14+s7], $0x1, s13, s7, $0xb8;
	[tilespmem:$0xC500] =	vst v63  }
0x217: {  	s26 =	simm.s32 $0xC80;
	s15 =	rddreg [dreg:$0xf]  }
0x218: {  	[tilespmem:s26], [sflag:$0x1] =	stream.indirect.gather [hbm4b:s14+s7], $0x1, s15, s7, $0xb8;
	[tilespmem:$0xC500] =	vst v63  }
0x219: {  	s28 =	simm.s32 $0xD00;
	s16 =	rddreg [dreg:$0x10]  }
0x21a: {  	[tilespmem:s28], [sflag:$0x1] =	stream.indirect.gather [hbm4b:s14+s7], $0x1, s16, s7, $0xb8;
	[tilespmem:$0xC500] =	vst v63  }
0x21b: {  	s29 =	simm.s32 $0xD80;
	s17 =	rddreg [dreg:$0x11]  }
0x21c: {  	[tilespmem:s29], [sflag:$0x1] =	stream.indirect.gather [hbm4b:s14+s7], $0x1, s17, s7, $0xb8;
	[tilespmem:$0xC500] =	vst v63  }
0x21d: {  	_ =	swait.ge [sflag:s8], $0x800  }
0x21e: {  	[sflag:s8] =	ssyncset.done $0x0  }
0x21f: {  	[sflag:s8] =	ssyncadd.s32 $0xFFFFF800  }
0x220: {  	_ =	swait.ge [sflag:s8], $0x800  }
0x221: {  	[sflag:s8] =	ssyncset.done $0x0  }
0x222: {  	[sflag:s8] =	ssyncadd.s32 $0xFFFFF800  }
0x223: {  	_ =	swait.ge [sflag:s8], $0x80  }
0x224: {  	[sflag:s8] =	ssyncset.done $0x0  }
0x225: {  	[sflag:s8] =	ssyncadd.s32 $0xFFFFFF80  }
0x226: {  	_ =	swait.ge [sflag:s8], $0x80  }
0x227: {  	[sflag:s8] =	ssyncset.done $0x0  }
0x228: {  	[sflag:s8] =	ssyncadd.s32 $0xFFFFFF80  }
0x229: {  	_ =	swait.ge [sflag:s8], $0x80  }
0x22a: {  	[sflag:s8] =	ssyncset.done $0x0  }
0x22b: {  	[sflag:s8] =	ssyncadd.s32 $0xFFFFFF80  }
0x22c: {  	_ =	swait.ge [sflag:s8], $0x80  }
0x22d: {  	[sflag:s8] =	ssyncset.done $0x0  }
0x22e: {  	[sflag:s8] =	ssyncadd.s32 $0xFFFFFF80  }
0x22f: {  	_ =	swait.ge [sflag:s8], $0x80  }
0x230: {  	[sflag:s8] =	ssyncset.done $0x0  }
0x231: {  	[sflag:s8] =	ssyncadd.s32 $0xFFFFFF80  }
0x232: {  	_ =	swait.ge [sflag:s8], $0x80  }
0x233: {  	[sflag:s8] =	ssyncset.done $0x0  }
0x234: {  	s30 =	simm.s32 $0xE00;
	s18 =	rddreg [dreg:$0x12];
	[sflag:s8] =	ssyncadd.s32 $0xFFFFFF80  }
0x235: {  	[tilespmem:s30], [sflag:$0x1] =	stream.indirect.gather [hbm4b:s14+s7], $0x1, s18, s7, $0xb8;
	[tilespmem:$0xC500] =	vst v63  }
0x236: {  	s31 =	simm.s32 $0xE80;
	s19 =	rddreg [dreg:$0x13]  }
0x237: {  	[tilespmem:s31], [sflag:$0x1] =	stream.indirect.gather [hbm4b:s14+s7], $0x1, s19, s7, $0xb8;
	[tilespmem:$0xC500] =	vst v63  }
0x238: {  	s15 =	simm.s32 $0xF00;
	s20 =	rddreg [dreg:$0x14]  }
0x239: {  	[tilespmem:s15], [sflag:$0x1] =	stream.indirect.gather [hbm4b:s14+s7], $0x1, s20, s7, $0xb8;
	[tilespmem:$0xC500] =	vst v63  }
0x23a: {  	s16 =	simm.s32 $0xF80;
	s21 =	rddreg [dreg:$0x15]  }
0x23b: {  	[tilespmem:s16], [sflag:$0x1] =	stream.indirect.gather [hbm4b:s14+s7], $0x1, s21, s7, $0xb8;
	[tilespmem:$0xC500] =	vst v63  }
0x23c: {  	s17 =	simm.s32 $0x1000;
	s22 =	rddreg [dreg:$0x16]  }
0x23d: {  	[tilespmem:s17], [sflag:$0x1] =	stream.indirect.gather [hbm4b:s14+s7], $0x1, s22, s7, $0xb8;
	[tilespmem:$0xC500] =	vst v63  }
0x23e: {  	s9 =	rddreg [dreg:$0x17];
	s20 =	simm.s32 $0x1080  }
0x23f: {  	[tilespmem:s20], [sflag:$0x1] =	stream.indirect.gather [hbm4b:s14+s7], $0x1, s9, s7, $0xb8;
	[tilespmem:$0xC500] =	vst v63  }
0x240: {  	s10 =	rddreg [dreg:$0x18];
	s18 =	simm.s32 $0x1100  }
0x241: {  	[tilespmem:s18], [sflag:$0x1] =	stream.indirect.gather [hbm4b:s14+s7], $0x1, s10, s7, $0xb8;
	[tilespmem:$0xC500] =	vst v63  }
0x242: {  	s11 =	rddreg [dreg:$0x19];
	s19 =	simm.s32 $0x1180  }
0x243: {  	[tilespmem:s19], [sflag:$0x1] =	stream.indirect.gather [hbm4b:s14+s7], $0x1, s11, s7, $0xb8;
	[tilespmem:$0xC500] =	vst v63  }
0x244: {  	_ =	swait.ge [sflag:s8], $0x80  }
0x245: {  	[sflag:s8] =	ssyncset.done $0x0  }
0x246: {  	[sflag:s8] =	ssyncadd.s32 $0xFFFFFF80  }
0x247: {  	_ =	swait.ge [sflag:s8], $0x80  }
0x248: {  	[sflag:s8] =	ssyncset.done $0x0  }
0x249: {  	[sflag:s8] =	ssyncadd.s32 $0xFFFFFF80  }
0x24a: {  	_ =	swait.ge [sflag:s8], $0x80  }
0x24b: {  	[sflag:s8] =	ssyncset.done $0x0  }
0x24c: {  	[sflag:s8] =	ssyncadd.s32 $0xFFFFFF80  }
0x24d: {  	_ =	swait.ge [sflag:s8], $0x80  }
0x24e: {  	[sflag:s8] =	ssyncset.done $0x0  }
0x24f: {  	[sflag:s8] =	ssyncadd.s32 $0xFFFFFF80  }
0x250: {  	_ =	swait.ge [sflag:s8], $0x80  }
0x251: {  	[sflag:s8] =	ssyncset.done $0x0  }
0x252: {  	[sflag:s8] =	ssyncadd.s32 $0xFFFFFF80  }
0x253: {  	_ =	swait.ge [sflag:s8], $0x80  }
0x254: {  	[sflag:s8] =	ssyncset.done $0x0  }
0x255: {  	[sflag:s8] =	ssyncadd.s32 $0xFFFFFF80  }
0x256: {  	_ =	swait.ge [sflag:s8], $0x80  }
0x257: {  	[sflag:s8] =	ssyncset.done $0x0  }
0x258: {  	[sflag:s8] =	ssyncadd.s32 $0xFFFFFF80  }
0x259: {  	_ =	swait.ge [sflag:s8], $0x80  }
0x25a: {  	[sflag:s8] =	ssyncset.done $0x0  }
0x25b: {  	s21 =	simm.s32 $0x1200;
	s12 =	rddreg [dreg:$0x1a];
	[sflag:s8] =	ssyncadd.s32 $0xFFFFFF80  }
0x25c: {  	[tilespmem:s21], [sflag:$0x1] =	stream.indirect.gather [hbm4b:s14+s7], $0x1, s12, s7, $0xb8;
	[tilespmem:$0xC500] =	vst v63  }
0x25d: {  	s22 =	simm.s32 $0x1280;
	s13 =	rddreg [dreg:$0x1b]  }
0x25e: {  	[tilespmem:s22], [sflag:$0x1] =	stream.indirect.gather [hbm4b:s14+s7], $0x1, s13, s7, $0xb8;
	[tilespmem:$0xC500] =	vst v63  }
0x25f: {  	s9 =	rddreg [dreg:$0x1c];
	s13 =	simm.s32 $0x1300  }
0x260: {  	[tilespmem:s13], [sflag:$0x1] =	stream.indirect.gather [hbm4b:s14+s7], $0x1, s9, s7, $0xb8;
	[tilespmem:$0xC500] =	vst v63  }
0x261: {  	s10 =	rddreg [dreg:$0x1d];
	s12 =	simm.s32 $0x1380  }
0x262: {  	[tilespmem:s12], [sflag:$0x1] =	stream.indirect.gather [hbm4b:s14+s7], $0x1, s10, s7, $0xb8;
	[tilespmem:$0xC500] =	vst v63  }
0x263: {  	s11 =	rddreg [dreg:$0x1e];
	s10 =	simm.s32 $0x1400  }
0x264: {  	[tilespmem:s10], [sflag:$0x1] =	stream.indirect.gather [hbm4b:s14+s7], $0x1, s11, s7, $0xb8;
	[tilespmem:$0xC500] =	vst v63  }
0x265: {  	s9 =	rddreg [dreg:$0x1f];
	s11 =	simm.s32 $0x1480  }
0x266: {  	[tilespmem:s11], [sflag:$0x1] =	stream.indirect.gather [hbm4b:s14+s7], $0x1, s9, s7, $0xb8;
	[tilespmem:$0xC500] =	vst v63  }
0x267: {  	_ =	swait.ge [sflag:s8], $0x80  }
0x268: {  	[sflag:s8] =	ssyncset.done $0x0  }
0x269: {  	[sflag:s8] =	ssyncadd.s32 $0xFFFFFF80  }
0x26a: {  	_ =	swait.ge [sflag:s8], $0x80  }
0x26b: {  	[sflag:s8] =	ssyncset.done $0x0  }
0x26c: {  	[sflag:s8] =	ssyncadd.s32 $0xFFFFFF80  }
0x26d: {  	_ =	swait.ge [sflag:s8], $0x80  }
0x26e: {  	[sflag:s8] =	ssyncset.done $0x0  }
0x26f: {  	[sflag:s8] =	ssyncadd.s32 $0xFFFFFF80  }
0x270: {  	_ =	swait.ge [sflag:s8], $0x80  }
0x271: {  	[sflag:s8] =	ssyncset.done $0x0  }
0x272: {  	[sflag:s8] =	ssyncadd.s32 $0xFFFFFF80  }
0x273: {  	_ =	swait.ge [sflag:s8], $0x80  }
0x274: {  	[sflag:s8] =	ssyncset.done $0x0  }
0x275: {  	[sflag:s8] =	ssyncadd.s32 $0xFFFFFF80  }
0x276: {  	_ =	swait.ge [sflag:s8], $0x80  }
0x277: {  	[sflag:s8] =	ssyncset.done $0x0  }
0x278: {  	s9 =	simm.s32 $0x2500;
	s14 =	sld [smem:$0x7EB];
	[sflag:s8] =	ssyncadd.s32 $0xFFFFFF80  }
0x279: {  	[tilespmem:s9], [sflag:$0x1] =	stream.indirect.gather [hbm4b:s4+s7], $0x10, s23, s7, $0xb8;
	[tilespmem:$0xC500] =	vst v63  }
0x27a: {  	s23 =	sld [smem:$0x7EC]  }
0x27b: {  	[tilespmem:s14], [sflag:$0x1] =	stream.indirect.gather [hbm4b:s4+s7], $0x10, s24, s7, $0xb8;
	[tilespmem:$0xC500] =	vst v63  }
0x27c: {  	s24 =	sld [smem:$0x7ED]  }
0x27d: {  	[tilespmem:s23], [sflag:$0x1] =	stream.indirect.gather [hbm4b:s4+s7], $0x10, s25, s7, $0xb8;
	[tilespmem:$0xC500] =	vst v63  }
0x27e: {  	s25 =	sld [smem:$0x7EE]  }
0x27f: {  	[tilespmem:s24], [sflag:$0x1] =	stream.indirect.gather [hbm4b:s4+s7], $0x10, s26, s7, $0xb8;
	[tilespmem:$0xC500] =	vst v63  }
0x280: {  	s26 =	sld [smem:$0x7EF]  }
0x281: {  	[tilespmem:s25], [sflag:$0x1] =	stream.indirect.gather [hbm4b:s4+s7], $0x10, s28, s7, $0xb8;
	[tilespmem:$0xC500] =	vst v63  }
0x282: {  	s28 =	sld [smem:$0x7F0]  }
0x283: {  	[tilespmem:s26], [sflag:$0x1] =	stream.indirect.gather [hbm4b:s4+s7], $0x10, s29, s7, $0xb8;
	[tilespmem:$0xC500] =	vst v63  }
0x284: {  	s29 =	sld [smem:$0x7F1]  }
0x285: {  	[tilespmem:s28], [sflag:$0x1] =	stream.indirect.gather [hbm4b:s4+s7], $0x10, s30, s7, $0xb8;
	[tilespmem:$0xC500] =	vst v63  }
0x286: {  	_ = 	snop  }
0x287: {  	[tilespmem:s29], [sflag:$0x1] =	stream.indirect.gather [hbm4b:s4+s7], $0x10, s31, s7, $0xb8;
	[tilespmem:$0xC500] =	vst v63  }
0x288: {  	_ =	swait.ge [sflag:s8], $0x800  }
0x289: {  	[sflag:s8] =	ssyncset.done $0x0  }
0x28a: {  	[sflag:s8] =	ssyncadd.s32 $0xFFFFF800  }
0x28b: {  	_ =	swait.ge [sflag:s8], $0x800  }
0x28c: {  	[sflag:s8] =	ssyncset.done $0x0  }
0x28d: {  	[sflag:s8] =	ssyncadd.s32 $0xFFFFF800  }
0x28e: {  	_ =	swait.ge [sflag:s8], $0x800  }
0x28f: {  	[sflag:s8] =	ssyncset.done $0x0  }
0x290: {  	[sflag:s8] =	ssyncadd.s32 $0xFFFFF800  }
0x291: {  	_ =	swait.ge [sflag:s8], $0x800  }
0x292: {  	[sflag:s8] =	ssyncset.done $0x0  }
0x293: {  	[sflag:s8] =	ssyncadd.s32 $0xFFFFF800  }
0x294: {  	_ =	swait.ge [sflag:s8], $0x800  }
0x295: {  	[sflag:s8] =	ssyncset.done $0x0  }
0x296: {  	[sflag:s8] =	ssyncadd.s32 $0xFFFFF800  }
0x297: {  	_ =	swait.ge [sflag:s8], $0x800  }
0x298: {  	[sflag:s8] =	ssyncset.done $0x0  }
0x299: {  	[sflag:s8] =	ssyncadd.s32 $0xFFFFF800  }
0x29a: {  	_ =	swait.ge [sflag:s8], $0x800  }
0x29b: {  	[sflag:s8] =	ssyncset.done $0x0  }
0x29c: {  	[sflag:s8] =	ssyncadd.s32 $0xFFFFF800  }
0x29d: {  	_ =	swait.ge [sflag:s8], $0x800  }
0x29e: {  	s30 =	sld [smem:$0x7F2]  }
0x29f: {  	[sflag:s8] =	ssyncset.done $0x0  }
0x2a0: {  	s31 =	sld [smem:$0x7F3];
	[sflag:s8] =	ssyncadd.s32 $0xFFFFF800  }
0x2a1: {  	[tilespmem:s30], [sflag:$0x1] =	stream.indirect.gather [hbm4b:s4+s7], $0x10, s15, s7, $0xb8;
	[tilespmem:$0xC500] =	vst v63  }
0x2a2: {  	s14 =	sld [smem:$0x7F4]  }
0x2a3: {  	[tilespmem:s31], [sflag:$0x1] =	stream.indirect.gather [hbm4b:s4+s7], $0x10, s16, s7, $0xb8;
	[tilespmem:$0xC500] =	vst v63  }
0x2a4: {  	s15 =	sld [smem:$0x7F5]  }
0x2a5: {  	[tilespmem:s14], [sflag:$0x1] =	stream.indirect.gather [hbm4b:s4+s7], $0x10, s17, s7, $0xb8;
	[tilespmem:$0xC500] =	vst v63  }
0x2a6: {  	s16 =	sld [smem:$0x7F6]  }
0x2a7: {  	[tilespmem:s15], [sflag:$0x1] =	stream.indirect.gather [hbm4b:s4+s7], $0x10, s20, s7, $0xb8;
	[tilespmem:$0xC500] =	vst v63  }
0x2a8: {  	s17 =	sld [smem:$0x7F7]  }
0x2a9: {  	[tilespmem:s16], [sflag:$0x1] =	stream.indirect.gather [hbm4b:s4+s7], $0x10, s18, s7, $0xb8;
	[tilespmem:$0xC500] =	vst v63  }
0x2aa: {  	s18 =	sld [smem:$0x7F8]  }
0x2ab: {  	[tilespmem:s17], [sflag:$0x1] =	stream.indirect.gather [hbm4b:s4+s7], $0x10, s19, s7, $0xb8;
	[tilespmem:$0xC500] =	vst v63  }
0x2ac: {  	s20 =	sld [smem:$0x7F9]  }
0x2ad: {  	[tilespmem:s18], [sflag:$0x1] =	stream.indirect.gather [hbm4b:s4+s7], $0x10, s21, s7, $0xb8;
	[tilespmem:$0xC500] =	vst v63  }
0x2ae: {  	_ = 	snop  }
0x2af: {  	[tilespmem:s20], [sflag:$0x1] =	stream.indirect.gather [hbm4b:s4+s7], $0x10, s22, s7, $0xb8;
	[tilespmem:$0xC500] =	vst v63  }
0x2b0: {  	_ =	swait.ge [sflag:s8], $0x800  }
0x2b1: {  	[sflag:s8] =	ssyncset.done $0x0  }
0x2b2: {  	[sflag:s8] =	ssyncadd.s32 $0xFFFFF800  }
0x2b3: {  	_ =	swait.ge [sflag:s8], $0x800  }
0x2b4: {  	[sflag:s8] =	ssyncset.done $0x0  }
0x2b5: {  	[sflag:s8] =	ssyncadd.s32 $0xFFFFF800  }
0x2b6: {  	_ =	swait.ge [sflag:s8], $0x800  }
0x2b7: {  	[sflag:s8] =	ssyncset.done $0x0  }
0x2b8: {  	[sflag:s8] =	ssyncadd.s32 $0xFFFFF800  }
0x2b9: {  	_ =	swait.ge [sflag:s8], $0x800  }
0x2ba: {  	[sflag:s8] =	ssyncset.done $0x0  }
0x2bb: {  	[sflag:s8] =	ssyncadd.s32 $0xFFFFF800  }
0x2bc: {  	_ =	swait.ge [sflag:s8], $0x800  }
0x2bd: {  	[sflag:s8] =	ssyncset.done $0x0  }
0x2be: {  	[sflag:s8] =	ssyncadd.s32 $0xFFFFF800  }
0x2bf: {  	_ =	swait.ge [sflag:s8], $0x800  }
0x2c0: {  	[sflag:s8] =	ssyncset.done $0x0  }
0x2c1: {  	[sflag:s8] =	ssyncadd.s32 $0xFFFFF800  }
0x2c2: {  	_ =	swait.ge [sflag:s8], $0x800  }
0x2c3: {  	[sflag:s8] =	ssyncset.done $0x0  }
0x2c4: {  	[sflag:s8] =	ssyncadd.s32 $0xFFFFF800  }
0x2c5: {  	_ =	swait.ge [sflag:s8], $0x800  }
0x2c6: {  	s23 =	sld [smem:$0x7FA]  }
0x2c7: {  	[sflag:s8] =	ssyncset.done $0x0  }
0x2c8: {  	s24 =	sld [smem:$0x7FB];
	[sflag:s8] =	ssyncadd.s32 $0xFFFFF800  }
0x2c9: {  	[tilespmem:s23], [sflag:$0x1] =	stream.indirect.gather [hbm4b:s4+s7], $0x10, s13, s7, $0xb8;
	[tilespmem:$0xC500] =	vst v63  }
0x2ca: {  	s25 =	sld [smem:$0x7FC]  }
0x2cb: {  	[tilespmem:s24], [sflag:$0x1] =	stream.indirect.gather [hbm4b:s4+s7], $0x10, s12, s7, $0xb8;
	[tilespmem:$0xC500] =	vst v63  }
0x2cc: {  	s26 =	sld [smem:$0x7FD]  }
0x2cd: {  	[tilespmem:s25], [sflag:$0x1] =	stream.indirect.gather [hbm4b:s4+s7], $0x10, s10, s7, $0xb8;
	[tilespmem:$0xC500] =	vst v63  }
0x2ce: {  	_ = 	snop  }
0x2cf: {  	[tilespmem:s26], [sflag:$0x1] =	stream.indirect.gather [hbm4b:s4+s7], $0x10, s11, s7, $0xb8;
	[tilespmem:$0xC500] =	vst v63  }
0x2d0: {  	_ =	swait.ge [sflag:s8], $0x800  }
0x2d1: {  	[sflag:s8] =	ssyncset.done $0x0  }
0x2d2: {  	[sflag:s8] =	ssyncadd.s32 $0xFFFFF800  }
0x2d3: {  	_ =	swait.ge [sflag:s8], $0x800  }
0x2d4: {  	[sflag:s8] =	ssyncset.done $0x0  }
0x2d5: {  	[sflag:s8] =	ssyncadd.s32 $0xFFFFF800  }
0x2d6: {  	_ =	swait.ge [sflag:s8], $0x800  }
0x2d7: {  	[sflag:s8] =	ssyncset.done $0x0  }
0x2d8: {  	[sflag:s8] =	ssyncadd.s32 $0xFFFFF800  }
0x2d9: {  	_ =	swait.ge [sflag:s8], $0x800  }
0x2da: {  	[sflag:s8] =	ssyncset.done $0x0  }
0x2db: {  	s28 =	rddreg [dreg:$0xa];
	[sflag:s8] =	ssyncadd.s32 $0xFFFFF800  }
0x2dc: {  	[hbm4b:s28+s2] =	stream.linear.scatter [tilespmem:s9], [sflag:$0x2], $0xA000, $0x38;
	[tilespmem:$0xC500] =	vst v63  }
0x2dd: {  	_ =	swait.ge [sflag:s3], $0xA000  }
0x2de: {  	[sflag:s3] =	ssyncset.done $0x0  }
0x2df: {  	s29 =	rddreg [dreg:$0xb];
	[sflag:s3] =	ssyncadd.s32 $0xFFFF6000  }
0x2e0: {  	[hbm4b:s29+s2] =	stream.linear.scatter [tilespmem:s5], [sflag:$0x2], $0x800, $0x38;
	[tilespmem:$0xC500] =	vst v63  }
0x2e1: {  	_ =	swait.ge [sflag:s3], $0x800  }
0x2e2: {  	[sflag:s3] =	ssyncset.done $0x0  }
0x2e3: {  	s30 =	rddreg [dreg:$0xc];
	[sflag:s3] =	ssyncadd.s32 $0xFFFFF800  }
0x2e4: {  	[hbm4b:s30+s2] =	stream.linear.scatter [tilespmem:s6], [sflag:$0x2], $0x800, $0x38;
	[tilespmem:$0xC500] =	vst v63  }
0x2e5: {  	_ =	swait.ge [sflag:s3], $0x800  }
0x2e6: {  	[sflag:s3] =	ssyncset.done $0x0  }
0x2e7: {  	[sflag:s3] =	ssyncadd.s32 $0xFFFFF800  }
0x2e8: {  	_ =	sfence.sel $0x180000  }
0x2e9: {  	[bflag:$0x0] =	sbarrier.arrive $0xFFFF  }
0x2ea: {  	_ =	strace $0x90000047  }
0x2eb: {  	s31 =	stileid.u32;
	[bflag:$0x2] =	sbarrier.arrive $0xFFFF  }
0x2ec: {  	p0 =	sne.s32 s31, $0x0;
	s0 =	rddreg [dreg:$0x5]  }
0x2ed: {  	s0 =	sadd.s32 @!p0 $0x100000, s0  }
0x2ee: {  	[sflag:s0] =	ssyncadd.tile.s32 @!p0 $0x1;
	_ =	shalt  }
.Lfunc_end2:
_tile_overlayer_lowered:
.L_overlay_start_2:
0x2ef: {  	(tag) =	ssettag $0x2  }
0x2f0: {  	s0 =	rddreg [dreg:$0x0];
	s2 =	stileid.u32  }
0x2f1: {  	s1 =	rddreg [dreg:$0x1];
	p0 =	sne.s32 s2, $0x0  }
0x2f2: {  	s3 =	rddreg [dreg:$0x2];
	[bflag:$0x3] =	sbarrier.arrive $0xFFFF;
	s2 =	simm.s32 @!p0 $0x1C02  }
0x2f3: {  	[timem:s3], [sflag:s2] =	dma.local @!p0 [hbm:s0], s1  }
0x2f4: {  	s0 =	simm.s32 @!p0 $0x2  }
0x2f5: {  	_ =	swait.ge @!p0 [sflag:s0], s1  }
0x2f6: {  	s1 =	ssub.s32 @!p0 $0x0, s1;
	[sflag:s0] =	ssyncset.done @!p0 $0x0  }
0x2f7: {  	[sflag:s0] =	ssyncadd.s32 @!p0 s1  }
0x2f8: {  	[bflag:$0x3] =	sbarrier.arrive $0xFFFF  }
0x2f9: {  	_ =	shalt  }

</sc_bundles>
